<compile_context>
chip_gen: v7x
topology: tpu7x:2x2x1
jax: 0.10.2.dev20260603
libtpu: 0.0.44.dev20260713+nightly
codegen_flags: <defaults>
</compile_context>

<pallas_src>
import functools

import jax
import jax.numpy as jnp
from jax import lax
from jax.experimental import pallas as pl
from jax.experimental.pallas import tpu as pltpu
from jax.experimental.pallas import tpu_sc as plsc

N_NODES = 10000
N_EDGES = 160000
DIM_IN = 256
DIM_HALF = 128
NUM_CORES = 2
NUM_SUBCORES = 16
CHUNK = 128
N_CHUNKS = N_EDGES // CHUNK
FULL_ROUNDS = N_CHUNKS // NUM_SUBCORES
TAIL = N_CHUNKS - FULL_ROUNDS * NUM_SUBCORES
ROWS_PER_TILE = 624
ROWS_REM = N_NODES - ROWS_PER_TILE * NUM_SUBCORES


def _mm_body(x_ref, w_ref, o_ref):
    o_ref[...] = lax.dot_general(
        x_ref[...], w_ref[...], (((1,), (1,)), ((), ())),
        preferred_element_type=jnp.float32)


def _matmul_split(x, W):
    m_blk = 1000
    grid = (N_NODES // m_blk, NUM_CORES)
    return pl.pallas_call(
        _mm_body,
        grid=grid,
        in_specs=[
            pl.BlockSpec((m_blk, DIM_IN), lambda i, c: (i, 0)),
            pl.BlockSpec((DIM_HALF, DIM_IN), lambda i, c: (c, 0)),
        ],
        out_specs=pl.BlockSpec(
            (m_blk, DIM_HALF),
            lambda i, c: (c * (N_NODES // m_blk) + i, 0)),
        out_shape=jax.ShapeDtypeStruct((NUM_CORES * N_NODES, DIM_HALF),
                                       jnp.float32),
    )(x, W)


def _sc_aggregate(h2, sd_arr, zeros):
    mesh = plsc.VectorSubcoreMesh(
        core_axis_name="c", subcore_axis_name="s",
        num_cores=NUM_CORES, num_subcores=NUM_SUBCORES)

    @functools.partial(
        pl.kernel,
        out_type=jax.ShapeDtypeStruct((N_NODES, DIM_IN), jnp.float32),
        mesh=mesh,
        scratch_types=[
            pltpu.VMEM((1, 2, CHUNK), jnp.int32),
            pltpu.VMEM((1, 2, CHUNK), jnp.int32),
            pltpu.VMEM((CHUNK, DIM_HALF), jnp.float32),
            pltpu.VMEM((CHUNK, DIM_HALF), jnp.float32),
            pltpu.VMEM_SHARED((N_NODES, DIM_HALF), jnp.float32),
            pltpu.SemaphoreType.DMA,
        ],
    )
    def agg(h_hbm, sd_hbm, z_hbm, out_hbm, sd0, sd1, rows0, rows1,
            acc, sem):
        c = lax.axis_index("c")
        s = lax.axis_index("s")
        row0 = s * ROWS_PER_TILE
        pltpu.sync_copy(z_hbm.at[pl.ds(0, ROWS_PER_TILE)],
                        acc.at[pl.ds(row0, ROWS_PER_TILE)])

        @pl.when(s == NUM_SUBCORES - 1)
        def _():
            pltpu.sync_copy(
                z_hbm.at[pl.ds(0, ROWS_REM)],
                acc.at[pl.ds(ROWS_PER_TILE * NUM_SUBCORES, ROWS_REM)])

        plsc.subcore_barrier()

        h_view = h_hbm.at[pl.ds(c * N_NODES, N_NODES)]

        sds = (sd0, sd1)
        rowbs = (rows0, rows1)

        def i_load(q, b):
            pltpu.sync_copy(sd_hbm.at[pl.ds(q * NUM_SUBCORES + s, 1)],
                            sds[b])

        def s_sync(b):
            pltpu.sync_copy(rowbs[b], acc.at[sds[b].at[0, 1]], add=True)

        def step(q, u, first, last):
            desc = pltpu.async_copy(h_view.at[sds[u].at[0, 0]], rowbs[u],
                                    sem)
            if not first:
                s_sync(1 - u)
            if not last:
                i_load(q + 1, 1 - u)
            desc.wait()

        def body(t, first, last):
            step(2 * t, 0, first, False)
            step(2 * t + 1, 1, False, last)

        i_load(0, 0)
        body(0, True, False)

        @pl.loop(1, FULL_ROUNDS // 2 - 1)
        def _(t):
            body(t, False, False)

        body(FULL_ROUNDS // 2 - 1, False, True)
        s_sync(1)

        @pl.when(s < TAIL)
        def _():
            i_load(FULL_ROUNDS, 0)
            pltpu.async_copy(h_view.at[sd0.at[0, 0]], rows0, sem).wait()
            s_sync(0)

        plsc.subcore_barrier()
        col0 = c * DIM_HALF
        pltpu.sync_copy(
            acc.at[pl.ds(row0, ROWS_PER_TILE)],
            out_hbm.at[pl.ds(row0, ROWS_PER_TILE), pl.ds(col0, DIM_HALF)])

        @pl.when(s == NUM_SUBCORES - 1)
        def _():
            tail0 = ROWS_PER_TILE * NUM_SUBCORES
            pltpu.sync_copy(
                acc.at[pl.ds(tail0, ROWS_REM)],
                out_hbm.at[pl.ds(tail0, ROWS_REM), pl.ds(col0, DIM_HALF)])

    return agg(h2, sd_arr, zeros)


def kernel(x, edge_index, W):
    src = edge_index[0].astype(jnp.int32)
    dst = edge_index[1].astype(jnp.int32)
    sd = jnp.stack([src.reshape(N_CHUNKS, CHUNK),
                    dst.reshape(N_CHUNKS, CHUNK)], axis=1)
    h2 = _matmul_split(x, W)
    zeros = jnp.zeros((ROWS_PER_TILE, DIM_HALF), jnp.float32)
    return _sc_aggregate(h2, sd, zeros)

# --- scband reference (transcript-rebuilt; emitter-appended) ---
"""Pipeline reference for scband-vanilla-gnnlayer-7017976562243 (READ-ONLY COPY).

The authoritative reference and input builder live on the scoring server;
editing this copy changes nothing except your own understanding.
"""

import jax, jax.numpy as jnp
import numpy as np

N_NODES = 10000
N_EDGES = 160000
DIM_IN = 256
DIM_OUT = 256


def setup_inputs(seed: int = 0) -> dict:
    key = jax.random.key(seed)
    k1, k2, k3 = jax.random.split(key, 3)
    x = jax.random.normal(k1, (N_NODES, DIM_IN), dtype=jnp.float32)
    edge_index = jax.random.randint(k2, (2, N_EDGES), 0, N_NODES, dtype=jnp.int64)
    # Linear(dim_in, dim_out, bias=False) weight: [dim_out, dim_in]
    W = jax.random.normal(k3, (DIM_OUT, DIM_IN), dtype=jnp.float32) * (1.0 / np.sqrt(DIM_IN))
    return {"x": x, "edge_index": edge_index, "W": W}


def reference(x, edge_index, W):
    # x = self.linear(x)  (no bias)
    h = x @ W.T
    # x = torch.sparse.mm(adjacency, x)
    # adjacency is a sparse [N, N] matrix with ones at (dst, src) for each edge,
    # so (A @ h)[dst] = sum over incoming edges of h[src].
    src = edge_index[0]
    dst = edge_index[1]
    gathered = jnp.take(h, src, axis=0)
    out = jax.ops.segment_sum(gathered, dst, num_segments=N_NODES)
    return out

if __name__ == "__main__":
    import jax
    _d = setup_inputs()
    print(jax.jit(kernel)(*tuple(_d.values())))

</pallas_src>

<mosaic_0001>
#map = affine_map<(d0, d1) -> (0, 0)>
#map1 = affine_map<(d0, d1) -> (0, 0, 0)>
module attributes {stable_mosaic.version = 14 : i64} {
  func.func @agg(%arg0: i32, %arg1: i32, %arg2: memref<20000x128xf32, #tpu.memory_space<hbm>>, %arg3: memref<1250x2x128xi32, #tpu.memory_space<hbm>>, %arg4: memref<624x128xf32, #tpu.memory_space<hbm>>, %arg5: memref<10000x256xf32, #tpu.memory_space<hbm>>, %arg6: memref<1x2x128xi32, #tpu.memory_space<vmem>>, %arg7: memref<1x2x128xi32, #tpu.memory_space<vmem>>, %arg8: memref<128x128xf32, #tpu.memory_space<vmem>>, %arg9: memref<128x128xf32, #tpu.memory_space<vmem>>, %arg10: memref<10000x128xf32, #tpu.memory_space<vmem_shared>>, %arg11: memref<!tpu.dma_semaphore, #tpu.memory_space<semaphore_mem>>) attributes {dimension_semantics = [#tpu.dimension_semantics<core_parallel>, #tpu.dimension_semantics<subcore_parallel>], iteration_bounds = array<i64: 2, 16>, scalar_prefetch = 0 : i64, scratch_operands = 6 : i64, tpu.core_type = #tpu.core_type<sc_vector_subcore>, window_params = [{transform_indices = #map}, {transform_indices = #map1}, {transform_indices = #map}, {transform_indices = #map}]} {
    %mul3A = arith.constant 624 : i32
    %mul3A_0 = arith.muli %arg1, %mul3A : i32
    "tpu.region"() ({
      %run_scoped3A_113 = tpu.sem_alloc : memref<!tpu.dma_semaphore, #tpu.memory_space<semaphore_mem>>
      %dma_start3A_114 = arith.constant 0 : i32
      %dma_start3A_115 = tpu.memref_slice %arg10[%mul3A_0, %dma_start3A_114] : memref<10000x128xf32, #tpu.memory_space<vmem_shared>> -> memref<624x128xf32, #tpu.memory_space<vmem_shared>>
      %dma_start3A_116 = arith.constant 0 : i32
      %dma_start3A_117 = arith.constant 0 : i32
      %dma_start3A_118 = tpu.memref_slice %arg4[%dma_start3A_116, %dma_start3A_117] : memref<624x128xf32, #tpu.memory_space<hbm>> -> memref<624x128xf32, #tpu.memory_space<hbm>>
      tpu.enqueue_dma source(%dma_start3A_118 : memref<624x128xf32, #tpu.memory_space<hbm>>) target(%dma_start3A_115 : memref<624x128xf32, #tpu.memory_space<vmem_shared>>) target_semaphore(%run_scoped3A_113 : memref<!tpu.dma_semaphore, #tpu.memory_space<semaphore_mem>>)
      %dma_wait3A_119 = arith.constant 0 : i32
      %dma_wait3A_120 = tpu.memref_slice %arg10[%mul3A_0, %dma_wait3A_119] : memref<10000x128xf32, #tpu.memory_space<vmem_shared>> -> memref<624x128xf32, #tpu.memory_space<vmem_shared>>
      %dma_wait3A_121 = arith.constant 0 : i32
      %dma_wait3A_122 = arith.constant 0 : i32
      %dma_wait3A_123 = tpu.memref_slice %arg4[%dma_wait3A_121, %dma_wait3A_122] : memref<624x128xf32, #tpu.memory_space<hbm>> -> memref<624x128xf32, #tpu.memory_space<hbm>>
      tpu.wait_dma2 semaphore(%run_scoped3A_113 : memref<!tpu.dma_semaphore, #tpu.memory_space<semaphore_mem>>) src(%dma_wait3A_123 : memref<624x128xf32, #tpu.memory_space<hbm>>) dst(%dma_wait3A_120 : memref<624x128xf32, #tpu.memory_space<vmem_shared>>)
      tpu.yield
    }) : () -> ()
    %eq3A = arith.constant 15 : i32
    %eq3A_1 = arith.cmpi eq, %arg1, %eq3A : i32
    %convert_element_type3A = arith.extui %eq3A_1 : i1 to i32
    %cond3A = arith.constant 0 : i32
    %cond3A_2 = arith.cmpi ne, %convert_element_type3A, %cond3A : i32
    scf.if %cond3A_2 {
      "tpu.region"() ({
        %run_scoped3A_113 = tpu.sem_alloc : memref<!tpu.dma_semaphore, #tpu.memory_space<semaphore_mem>>
        %dma_start3A_114 = arith.constant 9984 : i32
        %dma_start3A_115 = arith.constant 0 : i32
        %dma_start3A_116 = tpu.memref_slice %arg10[%dma_start3A_114, %dma_start3A_115] : memref<10000x128xf32, #tpu.memory_space<vmem_shared>> -> memref<16x128xf32, #tpu.memory_space<vmem_shared>>
        %dma_start3A_117 = arith.constant 0 : i32
        %dma_start3A_118 = arith.constant 0 : i32
        %dma_start3A_119 = tpu.memref_slice %arg4[%dma_start3A_117, %dma_start3A_118] : memref<624x128xf32, #tpu.memory_space<hbm>> -> memref<16x128xf32, #tpu.memory_space<hbm>>
        tpu.enqueue_dma source(%dma_start3A_119 : memref<16x128xf32, #tpu.memory_space<hbm>>) target(%dma_start3A_116 : memref<16x128xf32, #tpu.memory_space<vmem_shared>>) target_semaphore(%run_scoped3A_113 : memref<!tpu.dma_semaphore, #tpu.memory_space<semaphore_mem>>)
        %dma_wait3A_120 = arith.constant 9984 : i32
        %dma_wait3A_121 = arith.constant 0 : i32
        %dma_wait3A_122 = tpu.memref_slice %arg10[%dma_wait3A_120, %dma_wait3A_121] : memref<10000x128xf32, #tpu.memory_space<vmem_shared>> -> memref<16x128xf32, #tpu.memory_space<vmem_shared>>
        %dma_wait3A_123 = arith.constant 0 : i32
        %dma_wait3A_124 = arith.constant 0 : i32
        %dma_wait3A_125 = tpu.memref_slice %arg4[%dma_wait3A_123, %dma_wait3A_124] : memref<624x128xf32, #tpu.memory_space<hbm>> -> memref<16x128xf32, #tpu.memory_space<hbm>>
        tpu.wait_dma2 semaphore(%run_scoped3A_113 : memref<!tpu.dma_semaphore, #tpu.memory_space<semaphore_mem>>) src(%dma_wait3A_125 : memref<16x128xf32, #tpu.memory_space<hbm>>) dst(%dma_wait3A_122 : memref<16x128xf32, #tpu.memory_space<vmem_shared>>)
        tpu.yield
      }) : () -> ()
    } else {
    }
    %barrier3A = arith.constant 0 : index
    tpu.barrier barrier_id(%barrier3A)
    %mul3A_3 = arith.constant 10000 : i32
    %mul3A_4 = arith.muli %arg0, %mul3A_3 : i32
    %add3A = arith.constant 0 : i32
    %add3A_5 = arith.addi %add3A, %arg1 : i32
    "tpu.region"() ({
      %run_scoped3A_113 = tpu.sem_alloc : memref<!tpu.dma_semaphore, #tpu.memory_space<semaphore_mem>>
      %dma_start3A_114 = arith.constant 0 : i32
      %dma_start3A_115 = arith.constant 0 : i32
      %dma_start3A_116 = tpu.memref_slice %arg3[%add3A_5, %dma_start3A_114, %dma_start3A_115] : memref<1250x2x128xi32, #tpu.memory_space<hbm>> -> memref<1x2x128xi32, #tpu.memory_space<hbm>>
      %dma_start3A_117 = arith.constant 0 : i32
      %dma_start3A_118 = arith.constant 0 : i32
      %dma_start3A_119 = tpu.memref_slice %arg3[%add3A_5, %dma_start3A_117, %dma_start3A_118] : memref<1250x2x128xi32, #tpu.memory_space<hbm>> -> memref<1x2x128xi32, #tpu.memory_space<hbm>>
      tpu.enqueue_dma source(%dma_start3A_119 : memref<1x2x128xi32, #tpu.memory_space<hbm>>) target(%arg6 : memref<1x2x128xi32, #tpu.memory_space<vmem>>) target_semaphore(%run_scoped3A_113 : memref<!tpu.dma_semaphore, #tpu.memory_space<semaphore_mem>>)
      %dma_wait3A_120 = arith.constant 0 : i32
      %dma_wait3A_121 = arith.constant 0 : i32
      %dma_wait3A_122 = tpu.memref_slice %arg3[%add3A_5, %dma_wait3A_120, %dma_wait3A_121] : memref<1250x2x128xi32, #tpu.memory_space<hbm>> -> memref<1x2x128xi32, #tpu.memory_space<hbm>>
      %dma_wait3A_123 = arith.constant 0 : i32
      %dma_wait3A_124 = arith.constant 0 : i32
      %dma_wait3A_125 = tpu.memref_slice %arg3[%add3A_5, %dma_wait3A_123, %dma_wait3A_124] : memref<1250x2x128xi32, #tpu.memory_space<hbm>> -> memref<1x2x128xi32, #tpu.memory_space<hbm>>
      tpu.wait_dma2 semaphore(%run_scoped3A_113 : memref<!tpu.dma_semaphore, #tpu.memory_space<semaphore_mem>>) src(%dma_wait3A_125 : memref<1x2x128xi32, #tpu.memory_space<hbm>>) dst(%arg6 : memref<1x2x128xi32, #tpu.memory_space<vmem>>)
      tpu.yield
    }) : () -> ()
    %dma_start3A = arith.constant 0 : i32
    %dma_start3A_6 = arith.constant 0 : i32
    %dma_start3A_7 = arith.constant 0 : i32
    %dma_start3A_8 = tpu.memref_slice %arg6[%dma_start3A, %dma_start3A_6, %dma_start3A_7] : memref<1x2x128xi32, #tpu.memory_space<vmem>> -> memref<1x1x128xi32, #tpu.memory_space<vmem>>
    %dma_start3A_9 = tpu.memref_squeeze %dma_start3A_8 : memref<1x1x128xi32, #tpu.memory_space<vmem>> -> memref<128xi32, #tpu.memory_space<vmem>>
    %dma_start3A_10 = arith.constant 0 : i32
    %dma_start3A_11 = tpu.memref_slice %arg2[%mul3A_4, %dma_start3A_10] : memref<20000x128xf32, #tpu.memory_space<hbm>> -> memref<10000x128xf32, #tpu.memory_space<hbm>>
    %dma_start3A_12 = arith.constant 0 : i32
    %dma_start3A_13 = arith.constant 0 : i32
    %dma_start3A_14 = tpu.memref_slice %dma_start3A_11[%dma_start3A_12, %dma_start3A_13] : memref<10000x128xf32, #tpu.memory_space<hbm>> -> memref<10000x128xf32, #tpu.memory_space<hbm>>
    tpu.enqueue_indirect_dma source(%dma_start3A_14 : memref<10000x128xf32, #tpu.memory_space<hbm>>) target(%arg8 : memref<128x128xf32, #tpu.memory_space<vmem>>) offsets(%dma_start3A_9 : memref<128xi32, #tpu.memory_space<vmem>>) semaphore(%arg11 : memref<!tpu.dma_semaphore, #tpu.memory_space<semaphore_mem>>)
    %add3A_15 = arith.constant 16 : i32
    %add3A_16 = arith.addi %add3A_15, %arg1 : i32
    "tpu.region"() ({
      %run_scoped3A_113 = tpu.sem_alloc : memref<!tpu.dma_semaphore, #tpu.memory_space<semaphore_mem>>
      %dma_start3A_114 = arith.constant 0 : i32
      %dma_start3A_115 = arith.constant 0 : i32
      %dma_start3A_116 = tpu.memref_slice %arg3[%add3A_16, %dma_start3A_114, %dma_start3A_115] : memref<1250x2x128xi32, #tpu.memory_space<hbm>> -> memref<1x2x128xi32, #tpu.memory_space<hbm>>
      %dma_start3A_117 = arith.constant 0 : i32
      %dma_start3A_118 = arith.constant 0 : i32
      %dma_start3A_119 = tpu.memref_slice %arg3[%add3A_16, %dma_start3A_117, %dma_start3A_118] : memref<1250x2x128xi32, #tpu.memory_space<hbm>> -> memref<1x2x128xi32, #tpu.memory_space<hbm>>
      tpu.enqueue_dma source(%dma_start3A_119 : memref<1x2x128xi32, #tpu.memory_space<hbm>>) target(%arg7 : memref<1x2x128xi32, #tpu.memory_space<vmem>>) target_semaphore(%run_scoped3A_113 : memref<!tpu.dma_semaphore, #tpu.memory_space<semaphore_mem>>)
      %dma_wait3A_120 = arith.constant 0 : i32
      %dma_wait3A_121 = arith.constant 0 : i32
      %dma_wait3A_122 = tpu.memref_slice %arg3[%add3A_16, %dma_wait3A_120, %dma_wait3A_121] : memref<1250x2x128xi32, #tpu.memory_space<hbm>> -> memref<1x2x128xi32, #tpu.memory_space<hbm>>
      %dma_wait3A_123 = arith.constant 0 : i32
      %dma_wait3A_124 = arith.constant 0 : i32
      %dma_wait3A_125 = tpu.memref_slice %arg3[%add3A_16, %dma_wait3A_123, %dma_wait3A_124] : memref<1250x2x128xi32, #tpu.memory_space<hbm>> -> memref<1x2x128xi32, #tpu.memory_space<hbm>>
      tpu.wait_dma2 semaphore(%run_scoped3A_113 : memref<!tpu.dma_semaphore, #tpu.memory_space<semaphore_mem>>) src(%dma_wait3A_125 : memref<1x2x128xi32, #tpu.memory_space<hbm>>) dst(%arg7 : memref<1x2x128xi32, #tpu.memory_space<vmem>>)
      tpu.yield
    }) : () -> ()
    %dma_wait3A = arith.constant 0 : i32
    %dma_wait3A_17 = arith.constant 0 : i32
    %dma_wait3A_18 = arith.constant 0 : i32
    %dma_wait3A_19 = tpu.memref_slice %arg6[%dma_wait3A, %dma_wait3A_17, %dma_wait3A_18] : memref<1x2x128xi32, #tpu.memory_space<vmem>> -> memref<1x1x128xi32, #tpu.memory_space<vmem>>
    %dma_wait3A_20 = tpu.memref_squeeze %dma_wait3A_19 : memref<1x1x128xi32, #tpu.memory_space<vmem>> -> memref<128xi32, #tpu.memory_space<vmem>>
    %dma_wait3A_21 = arith.constant 0 : i32
    %dma_wait3A_22 = tpu.memref_slice %arg2[%mul3A_4, %dma_wait3A_21] : memref<20000x128xf32, #tpu.memory_space<hbm>> -> memref<10000x128xf32, #tpu.memory_space<hbm>>
    %dma_wait3A_23 = arith.constant 0 : i32
    %dma_wait3A_24 = arith.constant 0 : i32
    %dma_wait3A_25 = tpu.memref_slice %dma_wait3A_22[%dma_wait3A_23, %dma_wait3A_24] : memref<10000x128xf32, #tpu.memory_space<hbm>> -> memref<10000x128xf32, #tpu.memory_space<hbm>>
    tpu.wait_indirect_dma semaphore(%arg11 : memref<!tpu.dma_semaphore, #tpu.memory_space<semaphore_mem>>) src(%dma_wait3A_25 : memref<10000x128xf32, #tpu.memory_space<hbm>>) dst(%arg8 : memref<128x128xf32, #tpu.memory_space<vmem>>)
    %dma_start3A_26 = arith.constant 0 : i32
    %dma_start3A_27 = arith.constant 0 : i32
    %dma_start3A_28 = arith.constant 0 : i32
    %dma_start3A_29 = tpu.memref_slice %arg7[%dma_start3A_26, %dma_start3A_27, %dma_start3A_28] : memref<1x2x128xi32, #tpu.memory_space<vmem>> -> memref<1x1x128xi32, #tpu.memory_space<vmem>>
    %dma_start3A_30 = tpu.memref_squeeze %dma_start3A_29 : memref<1x1x128xi32, #tpu.memory_space<vmem>> -> memref<128xi32, #tpu.memory_space<vmem>>
    %dma_start3A_31 = arith.constant 0 : i32
    %dma_start3A_32 = tpu.memref_slice %arg2[%mul3A_4, %dma_start3A_31] : memref<20000x128xf32, #tpu.memory_space<hbm>> -> memref<10000x128xf32, #tpu.memory_space<hbm>>
    %dma_start3A_33 = arith.constant 0 : i32
    %dma_start3A_34 = arith.constant 0 : i32
    %dma_start3A_35 = tpu.memref_slice %dma_start3A_32[%dma_start3A_33, %dma_start3A_34] : memref<10000x128xf32, #tpu.memory_space<hbm>> -> memref<10000x128xf32, #tpu.memory_space<hbm>>
    tpu.enqueue_indirect_dma source(%dma_start3A_35 : memref<10000x128xf32, #tpu.memory_space<hbm>>) target(%arg9 : memref<128x128xf32, #tpu.memory_space<vmem>>) offsets(%dma_start3A_30 : memref<128xi32, #tpu.memory_space<vmem>>) semaphore(%arg11 : memref<!tpu.dma_semaphore, #tpu.memory_space<semaphore_mem>>)
    %run_scoped3A = arith.constant 0 : i32
    %run_scoped3A_36 = arith.constant 1 : i32
    "tpu.region"() ({
      %run_scoped3A_113 = tpu.sem_alloc : memref<!tpu.dma_semaphore, #tpu.memory_space<semaphore_mem>>
      %dma_start3A_114 = arith.constant 0 : i32
      %dma_start3A_115 = tpu.memref_slice %arg6[%run_scoped3A, %run_scoped3A_36, %dma_start3A_114] : memref<1x2x128xi32, #tpu.memory_space<vmem>> -> memref<1x1x128xi32, #tpu.memory_space<vmem>>
      %dma_start3A_116 = tpu.memref_squeeze %dma_start3A_115 : memref<1x1x128xi32, #tpu.memory_space<vmem>> -> memref<128xi32, #tpu.memory_space<vmem>>
      %dma_start3A_117 = arith.constant 0 : i32
      %dma_start3A_118 = arith.constant 0 : i32
      %dma_start3A_119 = tpu.memref_slice %arg10[%dma_start3A_117, %dma_start3A_118] : memref<10000x128xf32, #tpu.memory_space<vmem_shared>> -> memref<10000x128xf32, #tpu.memory_space<vmem_shared>>
      tpu.enqueue_indirect_dma source(%arg8 : memref<128x128xf32, #tpu.memory_space<vmem>>) target(%dma_start3A_119 : memref<10000x128xf32, #tpu.memory_space<vmem_shared>>) offsets(%dma_start3A_116 : memref<128xi32, #tpu.memory_space<vmem>>) semaphore(%run_scoped3A_113 : memref<!tpu.dma_semaphore, #tpu.memory_space<semaphore_mem>>) {add = true}
      %dma_wait3A_120 = arith.constant 0 : i32
      %dma_wait3A_121 = tpu.memref_slice %arg6[%run_scoped3A, %run_scoped3A_36, %dma_wait3A_120] : memref<1x2x128xi32, #tpu.memory_space<vmem>> -> memref<1x1x128xi32, #tpu.memory_space<vmem>>
      %dma_wait3A_122 = tpu.memref_squeeze %dma_wait3A_121 : memref<1x1x128xi32, #tpu.memory_space<vmem>> -> memref<128xi32, #tpu.memory_space<vmem>>
      %dma_wait3A_123 = arith.constant 0 : i32
      %dma_wait3A_124 = arith.constant 0 : i32
      %dma_wait3A_125 = tpu.memref_slice %arg10[%dma_wait3A_123, %dma_wait3A_124] : memref<10000x128xf32, #tpu.memory_space<vmem_shared>> -> memref<10000x128xf32, #tpu.memory_space<vmem_shared>>
      tpu.wait_indirect_dma semaphore(%run_scoped3A_113 : memref<!tpu.dma_semaphore, #tpu.memory_space<semaphore_mem>>) src(%arg8 : memref<128x128xf32, #tpu.memory_space<vmem>>) dst(%dma_wait3A_125 : memref<10000x128xf32, #tpu.memory_space<vmem_shared>>)
      tpu.yield
    }) : () -> ()
    %add3A_37 = arith.constant 32 : i32
    %add3A_38 = arith.addi %add3A_37, %arg1 : i32
    "tpu.region"() ({
      %run_scoped3A_113 = tpu.sem_alloc : memref<!tpu.dma_semaphore, #tpu.memory_space<semaphore_mem>>
      %dma_start3A_114 = arith.constant 0 : i32
      %dma_start3A_115 = arith.constant 0 : i32
      %dma_start3A_116 = tpu.memref_slice %arg3[%add3A_38, %dma_start3A_114, %dma_start3A_115] : memref<1250x2x128xi32, #tpu.memory_space<hbm>> -> memref<1x2x128xi32, #tpu.memory_space<hbm>>
      %dma_start3A_117 = arith.constant 0 : i32
      %dma_start3A_118 = arith.constant 0 : i32
      %dma_start3A_119 = tpu.memref_slice %arg3[%add3A_38, %dma_start3A_117, %dma_start3A_118] : memref<1250x2x128xi32, #tpu.memory_space<hbm>> -> memref<1x2x128xi32, #tpu.memory_space<hbm>>
      tpu.enqueue_dma source(%dma_start3A_119 : memref<1x2x128xi32, #tpu.memory_space<hbm>>) target(%arg6 : memref<1x2x128xi32, #tpu.memory_space<vmem>>) target_semaphore(%run_scoped3A_113 : memref<!tpu.dma_semaphore, #tpu.memory_space<semaphore_mem>>)
      %dma_wait3A_120 = arith.constant 0 : i32
      %dma_wait3A_121 = arith.constant 0 : i32
      %dma_wait3A_122 = tpu.memref_slice %arg3[%add3A_38, %dma_wait3A_120, %dma_wait3A_121] : memref<1250x2x128xi32, #tpu.memory_space<hbm>> -> memref<1x2x128xi32, #tpu.memory_space<hbm>>
      %dma_wait3A_123 = arith.constant 0 : i32
      %dma_wait3A_124 = arith.constant 0 : i32
      %dma_wait3A_125 = tpu.memref_slice %arg3[%add3A_38, %dma_wait3A_123, %dma_wait3A_124] : memref<1250x2x128xi32, #tpu.memory_space<hbm>> -> memref<1x2x128xi32, #tpu.memory_space<hbm>>
      tpu.wait_dma2 semaphore(%run_scoped3A_113 : memref<!tpu.dma_semaphore, #tpu.memory_space<semaphore_mem>>) src(%dma_wait3A_125 : memref<1x2x128xi32, #tpu.memory_space<hbm>>) dst(%arg6 : memref<1x2x128xi32, #tpu.memory_space<vmem>>)
      tpu.yield
    }) : () -> ()
    %dma_wait3A_39 = arith.constant 0 : i32
    %dma_wait3A_40 = arith.constant 0 : i32
    %dma_wait3A_41 = arith.constant 0 : i32
    %dma_wait3A_42 = tpu.memref_slice %arg7[%dma_wait3A_39, %dma_wait3A_40, %dma_wait3A_41] : memref<1x2x128xi32, #tpu.memory_space<vmem>> -> memref<1x1x128xi32, #tpu.memory_space<vmem>>
    %dma_wait3A_43 = tpu.memref_squeeze %dma_wait3A_42 : memref<1x1x128xi32, #tpu.memory_space<vmem>> -> memref<128xi32, #tpu.memory_space<vmem>>
    %dma_wait3A_44 = arith.constant 0 : i32
    %dma_wait3A_45 = tpu.memref_slice %arg2[%mul3A_4, %dma_wait3A_44] : memref<20000x128xf32, #tpu.memory_space<hbm>> -> memref<10000x128xf32, #tpu.memory_space<hbm>>
    %dma_wait3A_46 = arith.constant 0 : i32
    %dma_wait3A_47 = arith.constant 0 : i32
    %dma_wait3A_48 = tpu.memref_slice %dma_wait3A_45[%dma_wait3A_46, %dma_wait3A_47] : memref<10000x128xf32, #tpu.memory_space<hbm>> -> memref<10000x128xf32, #tpu.memory_space<hbm>>
    tpu.wait_indirect_dma semaphore(%arg11 : memref<!tpu.dma_semaphore, #tpu.memory_space<semaphore_mem>>) src(%dma_wait3A_48 : memref<10000x128xf32, #tpu.memory_space<hbm>>) dst(%arg9 : memref<128x128xf32, #tpu.memory_space<vmem>>)
    %scan3A = arith.constant 0 : i32
    %scan3A_49 = arith.constant 37 : i32
    %scan3A_50 = arith.addi %scan3A, %scan3A_49 : i32
    %scan3A_51 = arith.constant 1 : i32
    scf.for %scan3A_113 = %scan3A to %scan3A_50 step %scan3A_51  : i32 {
      %mul3A_114 = arith.constant 1 : i32
      %mul3A_115 = arith.muli %scan3A_113, %mul3A_114 : i32
      %add3A_116 = arith.constant 1 : i32
      %add3A_117 = arith.addi %add3A_116, %mul3A_115 : i32
      %mul3A_118 = arith.constant 2 : i32
      %mul3A_119 = arith.muli %mul3A_118, %add3A_117 : i32
      %dma_start3A_120 = arith.constant 0 : i32
      %dma_start3A_121 = arith.constant 0 : i32
      %dma_start3A_122 = arith.constant 0 : i32
      %dma_start3A_123 = tpu.memref_slice %arg6[%dma_start3A_120, %dma_start3A_121, %dma_start3A_122] : memref<1x2x128xi32, #tpu.memory_space<vmem>> -> memref<1x1x128xi32, #tpu.memory_space<vmem>>
      %dma_start3A_124 = tpu.memref_squeeze %dma_start3A_123 : memref<1x1x128xi32, #tpu.memory_space<vmem>> -> memref<128xi32, #tpu.memory_space<vmem>>
      %dma_start3A_125 = arith.constant 0 : i32
      %dma_start3A_126 = tpu.memref_slice %arg2[%mul3A_4, %dma_start3A_125] : memref<20000x128xf32, #tpu.memory_space<hbm>> -> memref<10000x128xf32, #tpu.memory_space<hbm>>
      %dma_start3A_127 = arith.constant 0 : i32
      %dma_start3A_128 = arith.constant 0 : i32
      %dma_start3A_129 = tpu.memref_slice %dma_start3A_126[%dma_start3A_127, %dma_start3A_128] : memref<10000x128xf32, #tpu.memory_space<hbm>> -> memref<10000x128xf32, #tpu.memory_space<hbm>>
      tpu.enqueue_indirect_dma source(%dma_start3A_129 : memref<10000x128xf32, #tpu.memory_space<hbm>>) target(%arg8 : memref<128x128xf32, #tpu.memory_space<vmem>>) offsets(%dma_start3A_124 : memref<128xi32, #tpu.memory_space<vmem>>) semaphore(%arg11 : memref<!tpu.dma_semaphore, #tpu.memory_space<semaphore_mem>>)
      %run_scoped3A_130 = arith.constant 0 : i32
      %run_scoped3A_131 = arith.constant 1 : i32
      "tpu.region"() ({
        %run_scoped3A_178 = tpu.sem_alloc : memref<!tpu.dma_semaphore, #tpu.memory_space<semaphore_mem>>
        %dma_start3A_179 = arith.constant 0 : i32
        %dma_start3A_180 = tpu.memref_slice %arg7[%run_scoped3A_130, %run_scoped3A_131, %dma_start3A_179] : memref<1x2x128xi32, #tpu.memory_space<vmem>> -> memref<1x1x128xi32, #tpu.memory_space<vmem>>
        %dma_start3A_181 = tpu.memref_squeeze %dma_start3A_180 : memref<1x1x128xi32, #tpu.memory_space<vmem>> -> memref<128xi32, #tpu.memory_space<vmem>>
        %dma_start3A_182 = arith.constant 0 : i32
        %dma_start3A_183 = arith.constant 0 : i32
        %dma_start3A_184 = tpu.memref_slice %arg10[%dma_start3A_182, %dma_start3A_183] : memref<10000x128xf32, #tpu.memory_space<vmem_shared>> -> memref<10000x128xf32, #tpu.memory_space<vmem_shared>>
        tpu.enqueue_indirect_dma source(%arg9 : memref<128x128xf32, #tpu.memory_space<vmem>>) target(%dma_start3A_184 : memref<10000x128xf32, #tpu.memory_space<vmem_shared>>) offsets(%dma_start3A_181 : memref<128xi32, #tpu.memory_space<vmem>>) semaphore(%run_scoped3A_178 : memref<!tpu.dma_semaphore, #tpu.memory_space<semaphore_mem>>) {add = true}
        %dma_wait3A_185 = arith.constant 0 : i32
        %dma_wait3A_186 = tpu.memref_slice %arg7[%run_scoped3A_130, %run_scoped3A_131, %dma_wait3A_185] : memref<1x2x128xi32, #tpu.memory_space<vmem>> -> memref<1x1x128xi32, #tpu.memory_space<vmem>>
        %dma_wait3A_187 = tpu.memref_squeeze %dma_wait3A_186 : memref<1x1x128xi32, #tpu.memory_space<vmem>> -> memref<128xi32, #tpu.memory_space<vmem>>
        %dma_wait3A_188 = arith.constant 0 : i32
        %dma_wait3A_189 = arith.constant 0 : i32
        %dma_wait3A_190 = tpu.memref_slice %arg10[%dma_wait3A_188, %dma_wait3A_189] : memref<10000x128xf32, #tpu.memory_space<vmem_shared>> -> memref<10000x128xf32, #tpu.memory_space<vmem_shared>>
        tpu.wait_indirect_dma semaphore(%run_scoped3A_178 : memref<!tpu.dma_semaphore, #tpu.memory_space<semaphore_mem>>) src(%arg9 : memref<128x128xf32, #tpu.memory_space<vmem>>) dst(%dma_wait3A_190 : memref<10000x128xf32, #tpu.memory_space<vmem_shared>>)
        tpu.yield
      }) : () -> ()
      %add3A_132 = arith.constant 1 : i32
      %add3A_133 = arith.addi %mul3A_119, %add3A_132 : i32
      %mul3A_134 = arith.constant 16 : i32
      %mul3A_135 = arith.muli %add3A_133, %mul3A_134 : i32
      %add3A_136 = arith.addi %mul3A_135, %arg1 : i32
      "tpu.region"() ({
        %run_scoped3A_178 = tpu.sem_alloc : memref<!tpu.dma_semaphore, #tpu.memory_space<semaphore_mem>>
        %dma_start3A_179 = arith.constant 0 : i32
        %dma_start3A_180 = arith.constant 0 : i32
        %dma_start3A_181 = tpu.memref_slice %arg3[%add3A_136, %dma_start3A_179, %dma_start3A_180] : memref<1250x2x128xi32, #tpu.memory_space<hbm>> -> memref<1x2x128xi32, #tpu.memory_space<hbm>>
        %dma_start3A_182 = arith.constant 0 : i32
        %dma_start3A_183 = arith.constant 0 : i32
        %dma_start3A_184 = tpu.memref_slice %arg3[%add3A_136, %dma_start3A_182, %dma_start3A_183] : memref<1250x2x128xi32, #tpu.memory_space<hbm>> -> memref<1x2x128xi32, #tpu.memory_space<hbm>>
        tpu.enqueue_dma source(%dma_start3A_184 : memref<1x2x128xi32, #tpu.memory_space<hbm>>) target(%arg7 : memref<1x2x128xi32, #tpu.memory_space<vmem>>) target_semaphore(%run_scoped3A_178 : memref<!tpu.dma_semaphore, #tpu.memory_space<semaphore_mem>>)
        %dma_wait3A_185 = arith.constant 0 : i32
        %dma_wait3A_186 = arith.constant 0 : i32
        %dma_wait3A_187 = tpu.memref_slice %arg3[%add3A_136, %dma_wait3A_185, %dma_wait3A_186] : memref<1250x2x128xi32, #tpu.memory_space<hbm>> -> memref<1x2x128xi32, #tpu.memory_space<hbm>>
        %dma_wait3A_188 = arith.constant 0 : i32
        %dma_wait3A_189 = arith.constant 0 : i32
        %dma_wait3A_190 = tpu.memref_slice %arg3[%add3A_136, %dma_wait3A_188, %dma_wait3A_189] : memref<1250x2x128xi32, #tpu.memory_space<hbm>> -> memref<1x2x128xi32, #tpu.memory_space<hbm>>
        tpu.wait_dma2 semaphore(%run_scoped3A_178 : memref<!tpu.dma_semaphore, #tpu.memory_space<semaphore_mem>>) src(%dma_wait3A_190 : memref<1x2x128xi32, #tpu.memory_space<hbm>>) dst(%arg7 : memref<1x2x128xi32, #tpu.memory_space<vmem>>)
        tpu.yield
      }) : () -> ()
      %dma_wait3A_137 = arith.constant 0 : i32
      %dma_wait3A_138 = arith.constant 0 : i32
      %dma_wait3A_139 = arith.constant 0 : i32
      %dma_wait3A_140 = tpu.memref_slice %arg6[%dma_wait3A_137, %dma_wait3A_138, %dma_wait3A_139] : memref<1x2x128xi32, #tpu.memory_space<vmem>> -> memref<1x1x128xi32, #tpu.memory_space<vmem>>
      %dma_wait3A_141 = tpu.memref_squeeze %dma_wait3A_140 : memref<1x1x128xi32, #tpu.memory_space<vmem>> -> memref<128xi32, #tpu.memory_space<vmem>>
      %dma_wait3A_142 = arith.constant 0 : i32
      %dma_wait3A_143 = tpu.memref_slice %arg2[%mul3A_4, %dma_wait3A_142] : memref<20000x128xf32, #tpu.memory_space<hbm>> -> memref<10000x128xf32, #tpu.memory_space<hbm>>
      %dma_wait3A_144 = arith.constant 0 : i32
      %dma_wait3A_145 = arith.constant 0 : i32
      %dma_wait3A_146 = tpu.memref_slice %dma_wait3A_143[%dma_wait3A_144, %dma_wait3A_145] : memref<10000x128xf32, #tpu.memory_space<hbm>> -> memref<10000x128xf32, #tpu.memory_space<hbm>>
      tpu.wait_indirect_dma semaphore(%arg11 : memref<!tpu.dma_semaphore, #tpu.memory_space<semaphore_mem>>) src(%dma_wait3A_146 : memref<10000x128xf32, #tpu.memory_space<hbm>>) dst(%arg8 : memref<128x128xf32, #tpu.memory_space<vmem>>)
      %mul3A_147 = arith.constant 2 : i32
      %mul3A_148 = arith.muli %mul3A_147, %add3A_117 : i32
      %add3A_149 = arith.constant 1 : i32
      %add3A_150 = arith.addi %mul3A_148, %add3A_149 : i32
      %dma_start3A_151 = arith.constant 0 : i32
      %dma_start3A_152 = arith.constant 0 : i32
      %dma_start3A_153 = arith.constant 0 : i32
      %dma_start3A_154 = tpu.memref_slice %arg7[%dma_start3A_151, %dma_start3A_152, %dma_start3A_153] : memref<1x2x128xi32, #tpu.memory_space<vmem>> -> memref<1x1x128xi32, #tpu.memory_space<vmem>>
      %dma_start3A_155 = tpu.memref_squeeze %dma_start3A_154 : memref<1x1x128xi32, #tpu.memory_space<vmem>> -> memref<128xi32, #tpu.memory_space<vmem>>
      %dma_start3A_156 = arith.constant 0 : i32
      %dma_start3A_157 = tpu.memref_slice %arg2[%mul3A_4, %dma_start3A_156] : memref<20000x128xf32, #tpu.memory_space<hbm>> -> memref<10000x128xf32, #tpu.memory_space<hbm>>
      %dma_start3A_158 = arith.constant 0 : i32
      %dma_start3A_159 = arith.constant 0 : i32
      %dma_start3A_160 = tpu.memref_slice %dma_start3A_157[%dma_start3A_158, %dma_start3A_159] : memref<10000x128xf32, #tpu.memory_space<hbm>> -> memref<10000x128xf32, #tpu.memory_space<hbm>>
      tpu.enqueue_indirect_dma source(%dma_start3A_160 : memref<10000x128xf32, #tpu.memory_space<hbm>>) target(%arg9 : memref<128x128xf32, #tpu.memory_space<vmem>>) offsets(%dma_start3A_155 : memref<128xi32, #tpu.memory_space<vmem>>) semaphore(%arg11 : memref<!tpu.dma_semaphore, #tpu.memory_space<semaphore_mem>>)
      %run_scoped3A_161 = arith.constant 0 : i32
      %run_scoped3A_162 = arith.constant 1 : i32
      "tpu.region"() ({
        %run_scoped3A_178 = tpu.sem_alloc : memref<!tpu.dma_semaphore, #tpu.memory_space<semaphore_mem>>
        %dma_start3A_179 = arith.constant 0 : i32
        %dma_start3A_180 = tpu.memref_slice %arg6[%run_scoped3A_161, %run_scoped3A_162, %dma_start3A_179] : memref<1x2x128xi32, #tpu.memory_space<vmem>> -> memref<1x1x128xi32, #tpu.memory_space<vmem>>
        %dma_start3A_181 = tpu.memref_squeeze %dma_start3A_180 : memref<1x1x128xi32, #tpu.memory_space<vmem>> -> memref<128xi32, #tpu.memory_space<vmem>>
        %dma_start3A_182 = arith.constant 0 : i32
        %dma_start3A_183 = arith.constant 0 : i32
        %dma_start3A_184 = tpu.memref_slice %arg10[%dma_start3A_182, %dma_start3A_183] : memref<10000x128xf32, #tpu.memory_space<vmem_shared>> -> memref<10000x128xf32, #tpu.memory_space<vmem_shared>>
        tpu.enqueue_indirect_dma source(%arg8 : memref<128x128xf32, #tpu.memory_space<vmem>>) target(%dma_start3A_184 : memref<10000x128xf32, #tpu.memory_space<vmem_shared>>) offsets(%dma_start3A_181 : memref<128xi32, #tpu.memory_space<vmem>>) semaphore(%run_scoped3A_178 : memref<!tpu.dma_semaphore, #tpu.memory_space<semaphore_mem>>) {add = true}
        %dma_wait3A_185 = arith.constant 0 : i32
        %dma_wait3A_186 = tpu.memref_slice %arg6[%run_scoped3A_161, %run_scoped3A_162, %dma_wait3A_185] : memref<1x2x128xi32, #tpu.memory_space<vmem>> -> memref<1x1x128xi32, #tpu.memory_space<vmem>>
        %dma_wait3A_187 = tpu.memref_squeeze %dma_wait3A_186 : memref<1x1x128xi32, #tpu.memory_space<vmem>> -> memref<128xi32, #tpu.memory_space<vmem>>
        %dma_wait3A_188 = arith.constant 0 : i32
        %dma_wait3A_189 = arith.constant 0 : i32
        %dma_wait3A_190 = tpu.memref_slice %arg10[%dma_wait3A_188, %dma_wait3A_189] : memref<10000x128xf32, #tpu.memory_space<vmem_shared>> -> memref<10000x128xf32, #tpu.memory_space<vmem_shared>>
        tpu.wait_indirect_dma semaphore(%run_scoped3A_178 : memref<!tpu.dma_semaphore, #tpu.memory_space<semaphore_mem>>) src(%arg8 : memref<128x128xf32, #tpu.memory_space<vmem>>) dst(%dma_wait3A_190 : memref<10000x128xf32, #tpu.memory_space<vmem_shared>>)
        tpu.yield
      }) : () -> ()
      %add3A_163 = arith.constant 1 : i32
      %add3A_164 = arith.addi %add3A_150, %add3A_163 : i32
      %mul3A_165 = arith.constant 16 : i32
      %mul3A_166 = arith.muli %add3A_164, %mul3A_165 : i32
      %add3A_167 = arith.addi %mul3A_166, %arg1 : i32
      "tpu.region"() ({
        %run_scoped3A_178 = tpu.sem_alloc : memref<!tpu.dma_semaphore, #tpu.memory_space<semaphore_mem>>
        %dma_start3A_179 = arith.constant 0 : i32
        %dma_start3A_180 = arith.constant 0 : i32
        %dma_start3A_181 = tpu.memref_slice %arg3[%add3A_167, %dma_start3A_179, %dma_start3A_180] : memref<1250x2x128xi32, #tpu.memory_space<hbm>> -> memref<1x2x128xi32, #tpu.memory_space<hbm>>
        %dma_start3A_182 = arith.constant 0 : i32
        %dma_start3A_183 = arith.constant 0 : i32
        %dma_start3A_184 = tpu.memref_slice %arg3[%add3A_167, %dma_start3A_182, %dma_start3A_183] : memref<1250x2x128xi32, #tpu.memory_space<hbm>> -> memref<1x2x128xi32, #tpu.memory_space<hbm>>
        tpu.enqueue_dma source(%dma_start3A_184 : memref<1x2x128xi32, #tpu.memory_space<hbm>>) target(%arg6 : memref<1x2x128xi32, #tpu.memory_space<vmem>>) target_semaphore(%run_scoped3A_178 : memref<!tpu.dma_semaphore, #tpu.memory_space<semaphore_mem>>)
        %dma_wait3A_185 = arith.constant 0 : i32
        %dma_wait3A_186 = arith.constant 0 : i32
        %dma_wait3A_187 = tpu.memref_slice %arg3[%add3A_167, %dma_wait3A_185, %dma_wait3A_186] : memref<1250x2x128xi32, #tpu.memory_space<hbm>> -> memref<1x2x128xi32, #tpu.memory_space<hbm>>
        %dma_wait3A_188 = arith.constant 0 : i32
        %dma_wait3A_189 = arith.constant 0 : i32
        %dma_wait3A_190 = tpu.memref_slice %arg3[%add3A_167, %dma_wait3A_188, %dma_wait3A_189] : memref<1250x2x128xi32, #tpu.memory_space<hbm>> -> memref<1x2x128xi32, #tpu.memory_space<hbm>>
        tpu.wait_dma2 semaphore(%run_scoped3A_178 : memref<!tpu.dma_semaphore, #tpu.memory_space<semaphore_mem>>) src(%dma_wait3A_190 : memref<1x2x128xi32, #tpu.memory_space<hbm>>) dst(%arg6 : memref<1x2x128xi32, #tpu.memory_space<vmem>>)
        tpu.yield
      }) : () -> ()
      %dma_wait3A_168 = arith.constant 0 : i32
      %dma_wait3A_169 = arith.constant 0 : i32
      %dma_wait3A_170 = arith.constant 0 : i32
      %dma_wait3A_171 = tpu.memref_slice %arg7[%dma_wait3A_168, %dma_wait3A_169, %dma_wait3A_170] : memref<1x2x128xi32, #tpu.memory_space<vmem>> -> memref<1x1x128xi32, #tpu.memory_space<vmem>>
      %dma_wait3A_172 = tpu.memref_squeeze %dma_wait3A_171 : memref<1x1x128xi32, #tpu.memory_space<vmem>> -> memref<128xi32, #tpu.memory_space<vmem>>
      %dma_wait3A_173 = arith.constant 0 : i32
      %dma_wait3A_174 = tpu.memref_slice %arg2[%mul3A_4, %dma_wait3A_173] : memref<20000x128xf32, #tpu.memory_space<hbm>> -> memref<10000x128xf32, #tpu.memory_space<hbm>>
      %dma_wait3A_175 = arith.constant 0 : i32
      %dma_wait3A_176 = arith.constant 0 : i32
      %dma_wait3A_177 = tpu.memref_slice %dma_wait3A_174[%dma_wait3A_175, %dma_wait3A_176] : memref<10000x128xf32, #tpu.memory_space<hbm>> -> memref<10000x128xf32, #tpu.memory_space<hbm>>
      tpu.wait_indirect_dma semaphore(%arg11 : memref<!tpu.dma_semaphore, #tpu.memory_space<semaphore_mem>>) src(%dma_wait3A_177 : memref<10000x128xf32, #tpu.memory_space<hbm>>) dst(%arg9 : memref<128x128xf32, #tpu.memory_space<vmem>>)
    }
    %scan3A_52 = arith.constant 37 : i32
    %dma_start3A_53 = arith.constant 0 : i32
    %dma_start3A_54 = arith.constant 0 : i32
    %dma_start3A_55 = arith.constant 0 : i32
    %dma_start3A_56 = tpu.memref_slice %arg6[%dma_start3A_53, %dma_start3A_54, %dma_start3A_55] : memref<1x2x128xi32, #tpu.memory_space<vmem>> -> memref<1x1x128xi32, #tpu.memory_space<vmem>>
    %dma_start3A_57 = tpu.memref_squeeze %dma_start3A_56 : memref<1x1x128xi32, #tpu.memory_space<vmem>> -> memref<128xi32, #tpu.memory_space<vmem>>
    %dma_start3A_58 = arith.constant 0 : i32
    %dma_start3A_59 = tpu.memref_slice %arg2[%mul3A_4, %dma_start3A_58] : memref<20000x128xf32, #tpu.memory_space<hbm>> -> memref<10000x128xf32, #tpu.memory_space<hbm>>
    %dma_start3A_60 = arith.constant 0 : i32
    %dma_start3A_61 = arith.constant 0 : i32
    %dma_start3A_62 = tpu.memref_slice %dma_start3A_59[%dma_start3A_60, %dma_start3A_61] : memref<10000x128xf32, #tpu.memory_space<hbm>> -> memref<10000x128xf32, #tpu.memory_space<hbm>>
    tpu.enqueue_indirect_dma source(%dma_start3A_62 : memref<10000x128xf32, #tpu.memory_space<hbm>>) target(%arg8 : memref<128x128xf32, #tpu.memory_space<vmem>>) offsets(%dma_start3A_57 : memref<128xi32, #tpu.memory_space<vmem>>) semaphore(%arg11 : memref<!tpu.dma_semaphore, #tpu.memory_space<semaphore_mem>>)
    %run_scoped3A_63 = arith.constant 0 : i32
    %run_scoped3A_64 = arith.constant 1 : i32
    "tpu.region"() ({
      %run_scoped3A_113 = tpu.sem_alloc : memref<!tpu.dma_semaphore, #tpu.memory_space<semaphore_mem>>
      %dma_start3A_114 = arith.constant 0 : i32
      %dma_start3A_115 = tpu.memref_slice %arg7[%run_scoped3A_63, %run_scoped3A_64, %dma_start3A_114] : memref<1x2x128xi32, #tpu.memory_space<vmem>> -> memref<1x1x128xi32, #tpu.memory_space<vmem>>
      %dma_start3A_116 = tpu.memref_squeeze %dma_start3A_115 : memref<1x1x128xi32, #tpu.memory_space<vmem>> -> memref<128xi32, #tpu.memory_space<vmem>>
      %dma_start3A_117 = arith.constant 0 : i32
      %dma_start3A_118 = arith.constant 0 : i32
      %dma_start3A_119 = tpu.memref_slice %arg10[%dma_start3A_117, %dma_start3A_118] : memref<10000x128xf32, #tpu.memory_space<vmem_shared>> -> memref<10000x128xf32, #tpu.memory_space<vmem_shared>>
      tpu.enqueue_indirect_dma source(%arg9 : memref<128x128xf32, #tpu.memory_space<vmem>>) target(%dma_start3A_119 : memref<10000x128xf32, #tpu.memory_space<vmem_shared>>) offsets(%dma_start3A_116 : memref<128xi32, #tpu.memory_space<vmem>>) semaphore(%run_scoped3A_113 : memref<!tpu.dma_semaphore, #tpu.memory_space<semaphore_mem>>) {add = true}
      %dma_wait3A_120 = arith.constant 0 : i32
      %dma_wait3A_121 = tpu.memref_slice %arg7[%run_scoped3A_63, %run_scoped3A_64, %dma_wait3A_120] : memref<1x2x128xi32, #tpu.memory_space<vmem>> -> memref<1x1x128xi32, #tpu.memory_space<vmem>>
      %dma_wait3A_122 = tpu.memref_squeeze %dma_wait3A_121 : memref<1x1x128xi32, #tpu.memory_space<vmem>> -> memref<128xi32, #tpu.memory_space<vmem>>
      %dma_wait3A_123 = arith.constant 0 : i32
      %dma_wait3A_124 = arith.constant 0 : i32
      %dma_wait3A_125 = tpu.memref_slice %arg10[%dma_wait3A_123, %dma_wait3A_124] : memref<10000x128xf32, #tpu.memory_space<vmem_shared>> -> memref<10000x128xf32, #tpu.memory_space<vmem_shared>>
      tpu.wait_indirect_dma semaphore(%run_scoped3A_113 : memref<!tpu.dma_semaphore, #tpu.memory_space<semaphore_mem>>) src(%arg9 : memref<128x128xf32, #tpu.memory_space<vmem>>) dst(%dma_wait3A_125 : memref<10000x128xf32, #tpu.memory_space<vmem_shared>>)
      tpu.yield
    }) : () -> ()
    %add3A_65 = arith.constant 1232 : i32
    %add3A_66 = arith.addi %add3A_65, %arg1 : i32
    "tpu.region"() ({
      %run_scoped3A_113 = tpu.sem_alloc : memref<!tpu.dma_semaphore, #tpu.memory_space<semaphore_mem>>
      %dma_start3A_114 = arith.constant 0 : i32
      %dma_start3A_115 = arith.constant 0 : i32
      %dma_start3A_116 = tpu.memref_slice %arg3[%add3A_66, %dma_start3A_114, %dma_start3A_115] : memref<1250x2x128xi32, #tpu.memory_space<hbm>> -> memref<1x2x128xi32, #tpu.memory_space<hbm>>
      %dma_start3A_117 = arith.constant 0 : i32
      %dma_start3A_118 = arith.constant 0 : i32
      %dma_start3A_119 = tpu.memref_slice %arg3[%add3A_66, %dma_start3A_117, %dma_start3A_118] : memref<1250x2x128xi32, #tpu.memory_space<hbm>> -> memref<1x2x128xi32, #tpu.memory_space<hbm>>
      tpu.enqueue_dma source(%dma_start3A_119 : memref<1x2x128xi32, #tpu.memory_space<hbm>>) target(%arg7 : memref<1x2x128xi32, #tpu.memory_space<vmem>>) target_semaphore(%run_scoped3A_113 : memref<!tpu.dma_semaphore, #tpu.memory_space<semaphore_mem>>)
      %dma_wait3A_120 = arith.constant 0 : i32
      %dma_wait3A_121 = arith.constant 0 : i32
      %dma_wait3A_122 = tpu.memref_slice %arg3[%add3A_66, %dma_wait3A_120, %dma_wait3A_121] : memref<1250x2x128xi32, #tpu.memory_space<hbm>> -> memref<1x2x128xi32, #tpu.memory_space<hbm>>
      %dma_wait3A_123 = arith.constant 0 : i32
      %dma_wait3A_124 = arith.constant 0 : i32
      %dma_wait3A_125 = tpu.memref_slice %arg3[%add3A_66, %dma_wait3A_123, %dma_wait3A_124] : memref<1250x2x128xi32, #tpu.memory_space<hbm>> -> memref<1x2x128xi32, #tpu.memory_space<hbm>>
      tpu.wait_dma2 semaphore(%run_scoped3A_113 : memref<!tpu.dma_semaphore, #tpu.memory_space<semaphore_mem>>) src(%dma_wait3A_125 : memref<1x2x128xi32, #tpu.memory_space<hbm>>) dst(%arg7 : memref<1x2x128xi32, #tpu.memory_space<vmem>>)
      tpu.yield
    }) : () -> ()
    %dma_wait3A_67 = arith.constant 0 : i32
    %dma_wait3A_68 = arith.constant 0 : i32
    %dma_wait3A_69 = arith.constant 0 : i32
    %dma_wait3A_70 = tpu.memref_slice %arg6[%dma_wait3A_67, %dma_wait3A_68, %dma_wait3A_69] : memref<1x2x128xi32, #tpu.memory_space<vmem>> -> memref<1x1x128xi32, #tpu.memory_space<vmem>>
    %dma_wait3A_71 = tpu.memref_squeeze %dma_wait3A_70 : memref<1x1x128xi32, #tpu.memory_space<vmem>> -> memref<128xi32, #tpu.memory_space<vmem>>
    %dma_wait3A_72 = arith.constant 0 : i32
    %dma_wait3A_73 = tpu.memref_slice %arg2[%mul3A_4, %dma_wait3A_72] : memref<20000x128xf32, #tpu.memory_space<hbm>> -> memref<10000x128xf32, #tpu.memory_space<hbm>>
    %dma_wait3A_74 = arith.constant 0 : i32
    %dma_wait3A_75 = arith.constant 0 : i32
    %dma_wait3A_76 = tpu.memref_slice %dma_wait3A_73[%dma_wait3A_74, %dma_wait3A_75] : memref<10000x128xf32, #tpu.memory_space<hbm>> -> memref<10000x128xf32, #tpu.memory_space<hbm>>
    tpu.wait_indirect_dma semaphore(%arg11 : memref<!tpu.dma_semaphore, #tpu.memory_space<semaphore_mem>>) src(%dma_wait3A_76 : memref<10000x128xf32, #tpu.memory_space<hbm>>) dst(%arg8 : memref<128x128xf32, #tpu.memory_space<vmem>>)
    %dma_start3A_77 = arith.constant 0 : i32
    %dma_start3A_78 = arith.constant 0 : i32
    %dma_start3A_79 = arith.constant 0 : i32
    %dma_start3A_80 = tpu.memref_slice %arg7[%dma_start3A_77, %dma_start3A_78, %dma_start3A_79] : memref<1x2x128xi32, #tpu.memory_space<vmem>> -> memref<1x1x128xi32, #tpu.memory_space<vmem>>
    %dma_start3A_81 = tpu.memref_squeeze %dma_start3A_80 : memref<1x1x128xi32, #tpu.memory_space<vmem>> -> memref<128xi32, #tpu.memory_space<vmem>>
    %dma_start3A_82 = arith.constant 0 : i32
    %dma_start3A_83 = tpu.memref_slice %arg2[%mul3A_4, %dma_start3A_82] : memref<20000x128xf32, #tpu.memory_space<hbm>> -> memref<10000x128xf32, #tpu.memory_space<hbm>>
    %dma_start3A_84 = arith.constant 0 : i32
    %dma_start3A_85 = arith.constant 0 : i32
    %dma_start3A_86 = tpu.memref_slice %dma_start3A_83[%dma_start3A_84, %dma_start3A_85] : memref<10000x128xf32, #tpu.memory_space<hbm>> -> memref<10000x128xf32, #tpu.memory_space<hbm>>
    tpu.enqueue_indirect_dma source(%dma_start3A_86 : memref<10000x128xf32, #tpu.memory_space<hbm>>) target(%arg9 : memref<128x128xf32, #tpu.memory_space<vmem>>) offsets(%dma_start3A_81 : memref<128xi32, #tpu.memory_space<vmem>>) semaphore(%arg11 : memref<!tpu.dma_semaphore, #tpu.memory_space<semaphore_mem>>)
    %run_scoped3A_87 = arith.constant 0 : i32
    %run_scoped3A_88 = arith.constant 1 : i32
    "tpu.region"() ({
      %run_scoped3A_113 = tpu.sem_alloc : memref<!tpu.dma_semaphore, #tpu.memory_space<semaphore_mem>>
      %dma_start3A_114 = arith.constant 0 : i32
      %dma_start3A_115 = tpu.memref_slice %arg6[%run_scoped3A_87, %run_scoped3A_88, %dma_start3A_114] : memref<1x2x128xi32, #tpu.memory_space<vmem>> -> memref<1x1x128xi32, #tpu.memory_space<vmem>>
      %dma_start3A_116 = tpu.memref_squeeze %dma_start3A_115 : memref<1x1x128xi32, #tpu.memory_space<vmem>> -> memref<128xi32, #tpu.memory_space<vmem>>
      %dma_start3A_117 = arith.constant 0 : i32
      %dma_start3A_118 = arith.constant 0 : i32
      %dma_start3A_119 = tpu.memref_slice %arg10[%dma_start3A_117, %dma_start3A_118] : memref<10000x128xf32, #tpu.memory_space<vmem_shared>> -> memref<10000x128xf32, #tpu.memory_space<vmem_shared>>
      tpu.enqueue_indirect_dma source(%arg8 : memref<128x128xf32, #tpu.memory_space<vmem>>) target(%dma_start3A_119 : memref<10000x128xf32, #tpu.memory_space<vmem_shared>>) offsets(%dma_start3A_116 : memref<128xi32, #tpu.memory_space<vmem>>) semaphore(%run_scoped3A_113 : memref<!tpu.dma_semaphore, #tpu.memory_space<semaphore_mem>>) {add = true}
      %dma_wait3A_120 = arith.constant 0 : i32
      %dma_wait3A_121 = tpu.memref_slice %arg6[%run_scoped3A_87, %run_scoped3A_88, %dma_wait3A_120] : memref<1x2x128xi32, #tpu.memory_space<vmem>> -> memref<1x1x128xi32, #tpu.memory_space<vmem>>
      %dma_wait3A_122 = tpu.memref_squeeze %dma_wait3A_121 : memref<1x1x128xi32, #tpu.memory_space<vmem>> -> memref<128xi32, #tpu.memory_space<vmem>>
      %dma_wait3A_123 = arith.constant 0 : i32
      %dma_wait3A_124 = arith.constant 0 : i32
      %dma_wait3A_125 = tpu.memref_slice %arg10[%dma_wait3A_123, %dma_wait3A_124] : memref<10000x128xf32, #tpu.memory_space<vmem_shared>> -> memref<10000x128xf32, #tpu.memory_space<vmem_shared>>
      tpu.wait_indirect_dma semaphore(%run_scoped3A_113 : memref<!tpu.dma_semaphore, #tpu.memory_space<semaphore_mem>>) src(%arg8 : memref<128x128xf32, #tpu.memory_space<vmem>>) dst(%dma_wait3A_125 : memref<10000x128xf32, #tpu.memory_space<vmem_shared>>)
      tpu.yield
    }) : () -> ()
    %dma_wait3A_89 = arith.constant 0 : i32
    %dma_wait3A_90 = arith.constant 0 : i32
    %dma_wait3A_91 = arith.constant 0 : i32
    %dma_wait3A_92 = tpu.memref_slice %arg7[%dma_wait3A_89, %dma_wait3A_90, %dma_wait3A_91] : memref<1x2x128xi32, #tpu.memory_space<vmem>> -> memref<1x1x128xi32, #tpu.memory_space<vmem>>
    %dma_wait3A_93 = tpu.memref_squeeze %dma_wait3A_92 : memref<1x1x128xi32, #tpu.memory_space<vmem>> -> memref<128xi32, #tpu.memory_space<vmem>>
    %dma_wait3A_94 = arith.constant 0 : i32
    %dma_wait3A_95 = tpu.memref_slice %arg2[%mul3A_4, %dma_wait3A_94] : memref<20000x128xf32, #tpu.memory_space<hbm>> -> memref<10000x128xf32, #tpu.memory_space<hbm>>
    %dma_wait3A_96 = arith.constant 0 : i32
    %dma_wait3A_97 = arith.constant 0 : i32
    %dma_wait3A_98 = tpu.memref_slice %dma_wait3A_95[%dma_wait3A_96, %dma_wait3A_97] : memref<10000x128xf32, #tpu.memory_space<hbm>> -> memref<10000x128xf32, #tpu.memory_space<hbm>>
    tpu.wait_indirect_dma semaphore(%arg11 : memref<!tpu.dma_semaphore, #tpu.memory_space<semaphore_mem>>) src(%dma_wait3A_98 : memref<10000x128xf32, #tpu.memory_space<hbm>>) dst(%arg9 : memref<128x128xf32, #tpu.memory_space<vmem>>)
    %run_scoped3A_99 = arith.constant 0 : i32
    %run_scoped3A_100 = arith.constant 1 : i32
    "tpu.region"() ({
      %run_scoped3A_113 = tpu.sem_alloc : memref<!tpu.dma_semaphore, #tpu.memory_space<semaphore_mem>>
      %dma_start3A_114 = arith.constant 0 : i32
      %dma_start3A_115 = tpu.memref_slice %arg7[%run_scoped3A_99, %run_scoped3A_100, %dma_start3A_114] : memref<1x2x128xi32, #tpu.memory_space<vmem>> -> memref<1x1x128xi32, #tpu.memory_space<vmem>>
      %dma_start3A_116 = tpu.memref_squeeze %dma_start3A_115 : memref<1x1x128xi32, #tpu.memory_space<vmem>> -> memref<128xi32, #tpu.memory_space<vmem>>
      %dma_start3A_117 = arith.constant 0 : i32
      %dma_start3A_118 = arith.constant 0 : i32
      %dma_start3A_119 = tpu.memref_slice %arg10[%dma_start3A_117, %dma_start3A_118] : memref<10000x128xf32, #tpu.memory_space<vmem_shared>> -> memref<10000x128xf32, #tpu.memory_space<vmem_shared>>
      tpu.enqueue_indirect_dma source(%arg9 : memref<128x128xf32, #tpu.memory_space<vmem>>) target(%dma_start3A_119 : memref<10000x128xf32, #tpu.memory_space<vmem_shared>>) offsets(%dma_start3A_116 : memref<128xi32, #tpu.memory_space<vmem>>) semaphore(%run_scoped3A_113 : memref<!tpu.dma_semaphore, #tpu.memory_space<semaphore_mem>>) {add = true}
      %dma_wait3A_120 = arith.constant 0 : i32
      %dma_wait3A_121 = tpu.memref_slice %arg7[%run_scoped3A_99, %run_scoped3A_100, %dma_wait3A_120] : memref<1x2x128xi32, #tpu.memory_space<vmem>> -> memref<1x1x128xi32, #tpu.memory_space<vmem>>
      %dma_wait3A_122 = tpu.memref_squeeze %dma_wait3A_121 : memref<1x1x128xi32, #tpu.memory_space<vmem>> -> memref<128xi32, #tpu.memory_space<vmem>>
      %dma_wait3A_123 = arith.constant 0 : i32
      %dma_wait3A_124 = arith.constant 0 : i32
      %dma_wait3A_125 = tpu.memref_slice %arg10[%dma_wait3A_123, %dma_wait3A_124] : memref<10000x128xf32, #tpu.memory_space<vmem_shared>> -> memref<10000x128xf32, #tpu.memory_space<vmem_shared>>
      tpu.wait_indirect_dma semaphore(%run_scoped3A_113 : memref<!tpu.dma_semaphore, #tpu.memory_space<semaphore_mem>>) src(%arg9 : memref<128x128xf32, #tpu.memory_space<vmem>>) dst(%dma_wait3A_125 : memref<10000x128xf32, #tpu.memory_space<vmem_shared>>)
      tpu.yield
    }) : () -> ()
    %lt3A = arith.constant 2 : i32
    %lt3A_101 = arith.cmpi slt, %arg1, %lt3A : i32
    %convert_element_type3A_102 = arith.extui %lt3A_101 : i1 to i32
    %cond3A_103 = arith.constant 0 : i32
    %cond3A_104 = arith.cmpi ne, %convert_element_type3A_102, %cond3A_103 : i32
    scf.if %cond3A_104 {
      %add3A_113 = arith.constant 1248 : i32
      %add3A_114 = arith.addi %add3A_113, %arg1 : i32
      "tpu.region"() ({
        %run_scoped3A_137 = tpu.sem_alloc : memref<!tpu.dma_semaphore, #tpu.memory_space<semaphore_mem>>
        %dma_start3A_138 = arith.constant 0 : i32
        %dma_start3A_139 = arith.constant 0 : i32
        %dma_start3A_140 = tpu.memref_slice %arg3[%add3A_114, %dma_start3A_138, %dma_start3A_139] : memref<1250x2x128xi32, #tpu.memory_space<hbm>> -> memref<1x2x128xi32, #tpu.memory_space<hbm>>
        %dma_start3A_141 = arith.constant 0 : i32
        %dma_start3A_142 = arith.constant 0 : i32
        %dma_start3A_143 = tpu.memref_slice %arg3[%add3A_114, %dma_start3A_141, %dma_start3A_142] : memref<1250x2x128xi32, #tpu.memory_space<hbm>> -> memref<1x2x128xi32, #tpu.memory_space<hbm>>
        tpu.enqueue_dma source(%dma_start3A_143 : memref<1x2x128xi32, #tpu.memory_space<hbm>>) target(%arg6 : memref<1x2x128xi32, #tpu.memory_space<vmem>>) target_semaphore(%run_scoped3A_137 : memref<!tpu.dma_semaphore, #tpu.memory_space<semaphore_mem>>)
        %dma_wait3A_144 = arith.constant 0 : i32
        %dma_wait3A_145 = arith.constant 0 : i32
        %dma_wait3A_146 = tpu.memref_slice %arg3[%add3A_114, %dma_wait3A_144, %dma_wait3A_145] : memref<1250x2x128xi32, #tpu.memory_space<hbm>> -> memref<1x2x128xi32, #tpu.memory_space<hbm>>
        %dma_wait3A_147 = arith.constant 0 : i32
        %dma_wait3A_148 = arith.constant 0 : i32
        %dma_wait3A_149 = tpu.memref_slice %arg3[%add3A_114, %dma_wait3A_147, %dma_wait3A_148] : memref<1250x2x128xi32, #tpu.memory_space<hbm>> -> memref<1x2x128xi32, #tpu.memory_space<hbm>>
        tpu.wait_dma2 semaphore(%run_scoped3A_137 : memref<!tpu.dma_semaphore, #tpu.memory_space<semaphore_mem>>) src(%dma_wait3A_149 : memref<1x2x128xi32, #tpu.memory_space<hbm>>) dst(%arg6 : memref<1x2x128xi32, #tpu.memory_space<vmem>>)
        tpu.yield
      }) : () -> ()
      %dma_start3A_115 = arith.constant 0 : i32
      %dma_start3A_116 = arith.constant 0 : i32
      %dma_start3A_117 = arith.constant 0 : i32
      %dma_start3A_118 = tpu.memref_slice %arg6[%dma_start3A_115, %dma_start3A_116, %dma_start3A_117] : memref<1x2x128xi32, #tpu.memory_space<vmem>> -> memref<1x1x128xi32, #tpu.memory_space<vmem>>
      %dma_start3A_119 = tpu.memref_squeeze %dma_start3A_118 : memref<1x1x128xi32, #tpu.memory_space<vmem>> -> memref<128xi32, #tpu.memory_space<vmem>>
      %dma_start3A_120 = arith.constant 0 : i32
      %dma_start3A_121 = tpu.memref_slice %arg2[%mul3A_4, %dma_start3A_120] : memref<20000x128xf32, #tpu.memory_space<hbm>> -> memref<10000x128xf32, #tpu.memory_space<hbm>>
      %dma_start3A_122 = arith.constant 0 : i32
      %dma_start3A_123 = arith.constant 0 : i32
      %dma_start3A_124 = tpu.memref_slice %dma_start3A_121[%dma_start3A_122, %dma_start3A_123] : memref<10000x128xf32, #tpu.memory_space<hbm>> -> memref<10000x128xf32, #tpu.memory_space<hbm>>
      tpu.enqueue_indirect_dma source(%dma_start3A_124 : memref<10000x128xf32, #tpu.memory_space<hbm>>) target(%arg8 : memref<128x128xf32, #tpu.memory_space<vmem>>) offsets(%dma_start3A_119 : memref<128xi32, #tpu.memory_space<vmem>>) semaphore(%arg11 : memref<!tpu.dma_semaphore, #tpu.memory_space<semaphore_mem>>)
      %dma_wait3A_125 = arith.constant 0 : i32
      %dma_wait3A_126 = arith.constant 0 : i32
      %dma_wait3A_127 = arith.constant 0 : i32
      %dma_wait3A_128 = tpu.memref_slice %arg6[%dma_wait3A_125, %dma_wait3A_126, %dma_wait3A_127] : memref<1x2x128xi32, #tpu.memory_space<vmem>> -> memref<1x1x128xi32, #tpu.memory_space<vmem>>
      %dma_wait3A_129 = tpu.memref_squeeze %dma_wait3A_128 : memref<1x1x128xi32, #tpu.memory_space<vmem>> -> memref<128xi32, #tpu.memory_space<vmem>>
      %dma_wait3A_130 = arith.constant 0 : i32
      %dma_wait3A_131 = tpu.memref_slice %arg2[%mul3A_4, %dma_wait3A_130] : memref<20000x128xf32, #tpu.memory_space<hbm>> -> memref<10000x128xf32, #tpu.memory_space<hbm>>
      %dma_wait3A_132 = arith.constant 0 : i32
      %dma_wait3A_133 = arith.constant 0 : i32
      %dma_wait3A_134 = tpu.memref_slice %dma_wait3A_131[%dma_wait3A_132, %dma_wait3A_133] : memref<10000x128xf32, #tpu.memory_space<hbm>> -> memref<10000x128xf32, #tpu.memory_space<hbm>>
      tpu.wait_indirect_dma semaphore(%arg11 : memref<!tpu.dma_semaphore, #tpu.memory_space<semaphore_mem>>) src(%dma_wait3A_134 : memref<10000x128xf32, #tpu.memory_space<hbm>>) dst(%arg8 : memref<128x128xf32, #tpu.memory_space<vmem>>)
      %run_scoped3A_135 = arith.constant 0 : i32
      %run_scoped3A_136 = arith.constant 1 : i32
      "tpu.region"() ({
        %run_scoped3A_137 = tpu.sem_alloc : memref<!tpu.dma_semaphore, #tpu.memory_space<semaphore_mem>>
        %dma_start3A_138 = arith.constant 0 : i32
        %dma_start3A_139 = tpu.memref_slice %arg6[%run_scoped3A_135, %run_scoped3A_136, %dma_start3A_138] : memref<1x2x128xi32, #tpu.memory_space<vmem>> -> memref<1x1x128xi32, #tpu.memory_space<vmem>>
        %dma_start3A_140 = tpu.memref_squeeze %dma_start3A_139 : memref<1x1x128xi32, #tpu.memory_space<vmem>> -> memref<128xi32, #tpu.memory_space<vmem>>
        %dma_start3A_141 = arith.constant 0 : i32
        %dma_start3A_142 = arith.constant 0 : i32
        %dma_start3A_143 = tpu.memref_slice %arg10[%dma_start3A_141, %dma_start3A_142] : memref<10000x128xf32, #tpu.memory_space<vmem_shared>> -> memref<10000x128xf32, #tpu.memory_space<vmem_shared>>
        tpu.enqueue_indirect_dma source(%arg8 : memref<128x128xf32, #tpu.memory_space<vmem>>) target(%dma_start3A_143 : memref<10000x128xf32, #tpu.memory_space<vmem_shared>>) offsets(%dma_start3A_140 : memref<128xi32, #tpu.memory_space<vmem>>) semaphore(%run_scoped3A_137 : memref<!tpu.dma_semaphore, #tpu.memory_space<semaphore_mem>>) {add = true}
        %dma_wait3A_144 = arith.constant 0 : i32
        %dma_wait3A_145 = tpu.memref_slice %arg6[%run_scoped3A_135, %run_scoped3A_136, %dma_wait3A_144] : memref<1x2x128xi32, #tpu.memory_space<vmem>> -> memref<1x1x128xi32, #tpu.memory_space<vmem>>
        %dma_wait3A_146 = tpu.memref_squeeze %dma_wait3A_145 : memref<1x1x128xi32, #tpu.memory_space<vmem>> -> memref<128xi32, #tpu.memory_space<vmem>>
        %dma_wait3A_147 = arith.constant 0 : i32
        %dma_wait3A_148 = arith.constant 0 : i32
        %dma_wait3A_149 = tpu.memref_slice %arg10[%dma_wait3A_147, %dma_wait3A_148] : memref<10000x128xf32, #tpu.memory_space<vmem_shared>> -> memref<10000x128xf32, #tpu.memory_space<vmem_shared>>
        tpu.wait_indirect_dma semaphore(%run_scoped3A_137 : memref<!tpu.dma_semaphore, #tpu.memory_space<semaphore_mem>>) src(%arg8 : memref<128x128xf32, #tpu.memory_space<vmem>>) dst(%dma_wait3A_149 : memref<10000x128xf32, #tpu.memory_space<vmem_shared>>)
        tpu.yield
      }) : () -> ()
    } else {
    }
    %barrier3A_105 = arith.constant 0 : index
    tpu.barrier barrier_id(%barrier3A_105)
    %mul3A_106 = arith.constant 128 : i32
    %mul3A_107 = arith.muli %arg0, %mul3A_106 : i32
    "tpu.region"() ({
      %run_scoped3A_113 = tpu.sem_alloc : memref<!tpu.dma_semaphore, #tpu.memory_space<semaphore_mem>>
      %dma_start3A_114 = tpu.memref_slice %arg5[%mul3A_0, %mul3A_107] : memref<10000x256xf32, #tpu.memory_space<hbm>> -> memref<624x128xf32, #tpu.memory_space<hbm>>
      %dma_start3A_115 = arith.constant 0 : i32
      %dma_start3A_116 = tpu.memref_slice %arg10[%mul3A_0, %dma_start3A_115] : memref<10000x128xf32, #tpu.memory_space<vmem_shared>> -> memref<624x128xf32, #tpu.memory_space<vmem_shared>>
      tpu.enqueue_dma source(%dma_start3A_116 : memref<624x128xf32, #tpu.memory_space<vmem_shared>>) target(%dma_start3A_114 : memref<624x128xf32, #tpu.memory_space<hbm>>) target_semaphore(%run_scoped3A_113 : memref<!tpu.dma_semaphore, #tpu.memory_space<semaphore_mem>>)
      %dma_wait3A_117 = tpu.memref_slice %arg5[%mul3A_0, %mul3A_107] : memref<10000x256xf32, #tpu.memory_space<hbm>> -> memref<624x128xf32, #tpu.memory_space<hbm>>
      %dma_wait3A_118 = arith.constant 0 : i32
      %dma_wait3A_119 = tpu.memref_slice %arg10[%mul3A_0, %dma_wait3A_118] : memref<10000x128xf32, #tpu.memory_space<vmem_shared>> -> memref<624x128xf32, #tpu.memory_space<vmem_shared>>
      tpu.wait_dma2 semaphore(%run_scoped3A_113 : memref<!tpu.dma_semaphore, #tpu.memory_space<semaphore_mem>>) src(%dma_wait3A_119 : memref<624x128xf32, #tpu.memory_space<vmem_shared>>) dst(%dma_wait3A_117 : memref<624x128xf32, #tpu.memory_space<hbm>>)
      tpu.yield
    }) : () -> ()
    %eq3A_108 = arith.constant 15 : i32
    %eq3A_109 = arith.cmpi eq, %arg1, %eq3A_108 : i32
    %convert_element_type3A_110 = arith.extui %eq3A_109 : i1 to i32
    %cond3A_111 = arith.constant 0 : i32
    %cond3A_112 = arith.cmpi ne, %convert_element_type3A_110, %cond3A_111 : i32
    scf.if %cond3A_112 {
      "tpu.region"() ({
        %run_scoped3A_113 = tpu.sem_alloc : memref<!tpu.dma_semaphore, #tpu.memory_space<semaphore_mem>>
        %dma_start3A_114 = arith.constant 9984 : i32
        %dma_start3A_115 = tpu.memref_slice %arg5[%dma_start3A_114, %mul3A_107] : memref<10000x256xf32, #tpu.memory_space<hbm>> -> memref<16x128xf32, #tpu.memory_space<hbm>>
        %dma_start3A_116 = arith.constant 9984 : i32
        %dma_start3A_117 = arith.constant 0 : i32
        %dma_start3A_118 = tpu.memref_slice %arg10[%dma_start3A_116, %dma_start3A_117] : memref<10000x128xf32, #tpu.memory_space<vmem_shared>> -> memref<16x128xf32, #tpu.memory_space<vmem_shared>>
        tpu.enqueue_dma source(%dma_start3A_118 : memref<16x128xf32, #tpu.memory_space<vmem_shared>>) target(%dma_start3A_115 : memref<16x128xf32, #tpu.memory_space<hbm>>) target_semaphore(%run_scoped3A_113 : memref<!tpu.dma_semaphore, #tpu.memory_space<semaphore_mem>>)
        %dma_wait3A_119 = arith.constant 9984 : i32
        %dma_wait3A_120 = tpu.memref_slice %arg5[%dma_wait3A_119, %mul3A_107] : memref<10000x256xf32, #tpu.memory_space<hbm>> -> memref<16x128xf32, #tpu.memory_space<hbm>>
        %dma_wait3A_121 = arith.constant 9984 : i32
        %dma_wait3A_122 = arith.constant 0 : i32
        %dma_wait3A_123 = tpu.memref_slice %arg10[%dma_wait3A_121, %dma_wait3A_122] : memref<10000x128xf32, #tpu.memory_space<vmem_shared>> -> memref<16x128xf32, #tpu.memory_space<vmem_shared>>
        tpu.wait_dma2 semaphore(%run_scoped3A_113 : memref<!tpu.dma_semaphore, #tpu.memory_space<semaphore_mem>>) src(%dma_wait3A_123 : memref<16x128xf32, #tpu.memory_space<vmem_shared>>) dst(%dma_wait3A_120 : memref<16x128xf32, #tpu.memory_space<hbm>>)
        tpu.yield
      }) : () -> ()
    } else {
    }
    return
  }
}

module attributes {stable_mosaic.version = 14 : i64} {
  func.func @_mm_body(%arg0: i32, %arg1: i32, %arg2: memref<1000x256xf32, #tpu.memory_space<vmem>>, %arg3: memref<128x256xf32, #tpu.memory_space<vmem>>, %arg4: memref<1000x128xf32, #tpu.memory_space<vmem>>) attributes {dimension_semantics = [#tpu.dimension_semantics<arbitrary>, #tpu.dimension_semantics<arbitrary>], iteration_bounds = array<i64: 10, 2>, scalar_prefetch = 0 : i64, scratch_operands = 0 : i64, tpu.core_type = #tpu.core_type<tc>, window_params = [{transform_indices = @transform_0, window_bounds = array<i64: 1000, 256>}, {transform_indices = @transform_1, window_bounds = array<i64: 128, 256>}, {transform_indices = @transform_2, window_bounds = array<i64: 1000, 128>}]} {
    %get3A = arith.constant 0 : index
    %get3A_0 = arith.constant 0 : index
    %get3A_1 = vector.load %arg2[%get3A, %get3A_0] : memref<1000x256xf32, #tpu.memory_space<vmem>>, vector<1000x256xf32>
    %get3A_2 = arith.constant 0 : index
    %get3A_3 = arith.constant 0 : index
    %get3A_4 = vector.load %arg3[%get3A_2, %get3A_3] : memref<128x256xf32, #tpu.memory_space<vmem>>, vector<128x256xf32>
    %dot_general3A = arith.constant dense<0.000000e+00> : vector<1000x128xf32>
    %dot_general3A_5 = tpu.matmul %get3A_1, %get3A_4, %dot_general3A {dimension_numbers = #tpu.dot_dimension_numbers<[1], [1], [0], [0], [0, 0, 1, 0], [], []>, transpose_lhs_hint = false} : vector<1000x256xf32>, vector<128x256xf32>, vector<1000x128xf32> -> vector<1000x128xf32>
    %swap3A = arith.constant 0 : index
    %swap3A_6 = arith.constant 0 : index
    %swap3A_7 = vector.load %arg4[%swap3A, %swap3A_6] : memref<1000x128xf32, #tpu.memory_space<vmem>>, vector<1000x128xf32>
    tpu.vector_store %arg4[%swap3A, %swap3A_6], %dot_general3A_5 {strides = array<i32>} : memref<1000x128xf32, #tpu.memory_space<vmem>>, vector<1000x128xf32>,
    return
  }
  func.func @transform_0(%arg0: i32, %arg1: i32) -> (i32, i32) {
    %c0_i32 = arith.constant 0 : i32
    %c0_i32_0 = arith.constant 0 : i32
    return %arg0, %c0_i32 : i32, i32
  }
  func.func @transform_1(%arg0: i32, %arg1: i32) -> (i32, i32) {
    %c0_i32 = arith.constant 0 : i32
    %c0_i32_0 = arith.constant 0 : i32
    return %arg1, %c0_i32 : i32, i32
  }
  func.func @transform_2(%arg0: i32, %arg1: i32) -> (i32, i32) {
    %mul3A = arith.constant 10 : i32
    %mul3A_0 = arith.muli %arg1, %mul3A : i32
    %add3A = arith.addi %mul3A_0, %arg0 : i32
    %c0_i32 = arith.constant 0 : i32
    %c0_i32_1 = arith.constant 0 : i32
    return %add3A, %c0_i32 : i32, i32
  }
}

</mosaic_0001>

<sc_bundles>
// kernel: kernel.4.cloned.1.call-start
scs
__scs_entry_jumppad:
0x0: {  	(pc) =	sbr.rel $0x88, $3  }
0x1: {  	(tag) =	ssettag $0x0;
	lr =	simm.s32 $0x1  }
0x2: {  	[smem:$0x3F9E] =	sst lr;
	_ =	strace $0xD0000000  }
0x3: {  	_ = 	snop  }
0x4: {  	_ = 	snop  }
0x5: {  	_ = 	snop  }
0x6: {  	_ = 	snop  }
0x7: {  	_ = 	snop  }
__scs_overlays_trampoline_lowered:
0x8: {  	[smem:$0x3FAD] =	sst s0  }
0x9: {  	[smem:$0x3FAE] =	sst s1  }
0xa: {  	[smem:$0x3FAF] =	sst s2  }
0xb: {  	[smem:$0x3FB0] =	sst s3  }
0xc: {  	[smem:$0x3FB1] =	sst s4  }
0xd: {  	[smem:$0x3FB2] =	sst s5  }
0xe: {  	[smem:$0x3FB3] =	sst s6  }
0xf: {  	[smem:$0x3FB4] =	sst s7  }
0x10: {  	[smem:$0x3FB5] =	sst s8  }
0x11: {  	[smem:$0x3FB6] =	sst s9;
	s0 =	simm.s32 @!p0 $0x0  }
0x12: {  	s1 =	sld [smem:$0x3F9C];
	s0 =	simm.s32 @p0 $0x1  }
0x13: {  	[smem:$0x3FB7] =	sst s0;
	s0 =	simm.s32 @!p1 $0x0  }
0x14: {  	s2 =	sld [smem:$0x3F9B];
	s0 =	simm.s32 @p1 $0x1  }
0x15: {  	[smem:$0x3FB8] =	sst s0;
	s0 =	simm.s32 @!p2 $0x0  }
0x16: {  	s3 =	sld [smem:$0x3FDB];
	s0 =	simm.s32 @p2 $0x1  }
0x17: {  	s4 =	simm.s32 $0x1BF5;
	[smem:$0x3FBA] =	sst s0  }
0x18: {  	s0 =	sld [smem:$0x3F9D];
	_ =	swait.ge [sflag:s4], $0x0  }
0x19: {  	s7 =	sld [smem:$0x3F9E]  }
0x1a: {  	s8 =	sadd.s32 $0xFFFFE003, lr  }
0x1b: {  	s9 =	sadd.s32 $0xFFFFFEF7, lr;
	s5 =	simm.s32 $0xFFFFFFFF;
	p2 =	slt.u32 s8, $0xFFFFF086  }
0x1c: {  	p1 =	slt.u32 s9, $0xF7A;
	s5 =	simm.s32 @!p2 $0x0  }
0x1d: {  	s5 =	simm.s32 @p1 $0x1;
	p0 =	seq.s32 s7, s2  }
0x1e: {  	s7 =	smul.u32 @!p0 $0xF7A, s2;
	p2 =	seq.s32 @!p0 s5, $0x0  }
0x1f: {  	s9 =	smul.u32 $0xF7A, s1;
	s8 =	simm.s32 @!p0 $0x1BF5;
	p2 =	por !p2, p0  }
0x20: {  	[sflag:s8] =	ssyncset.s32 @!p0 $0xFFFFF086;
	s6 =	sadd.s32 @!p0 s3, s7;
	s7 =	simm.s32 @!p0 $0x108  }
0x21: {  	s3 =	sadd.s32 s3, s9;
	s6 =	sadd.s32 @!p0 $0x88, s6;
	s7 =	simm.s32 @p2 $0x1082  }
0x22: {  	[simem:s7], [sflag:s8] =	dma.local @!p0 [hbm:s6], $0xF7A  }
0x23: {  	s9 =	sor.u32 $0xD0000000, s2;
	s6 =	simm.s32 $0x108;
	_ =	swait.ge @!p0 [sflag:s8], $0x0  }
0x24: {  	s3 =	sadd.s32 $0x88, s3;
	s6 =	simm.s32 @!p1 $0x1082;
	[sflag:s4] =	ssyncset.s32 $0xFFFFF086  }
0x25: {  	[simem:s6], [sflag:s4] =	dma.local [hbm:s3], $0xF7A  }
0x26: {  	[smem:$0x3F9E] =	sst s1;
	(tag) =	ssettag s2;
	_ =	strace s9  }
0x27: {  	s1 =	sld [smem:$0x3FAE]  }
0x28: {  	s2 =	sld [smem:$0x3FAF]  }
0x29: {  	s4 =	sld [smem:$0x3FB1]  }
0x2a: {  	p0 =	seq.s32 s5, $0x0;
	s5 =	sld [smem:$0x3FB2]  }
0x2b: {  	s6 =	sld [smem:$0x3FB3]  }
0x2c: {  	s7 =	sld [smem:$0x3FB4]  }
0x2d: {  	s3 =	simm.s32 $0x108;
	s8 =	sld [smem:$0x3FB5]  }
0x2e: {  	s3 =	simm.s32 @!p0 $0x1082;
	s9 =	sld [smem:$0x3FB6]  }
0x2f: {  	lr =	sadd.s32 s0, s3;
	s0 =	sld [smem:$0x3FAD]  }
0x30: {  	s3 =	sld [smem:$0x3FB0]  }
0x31: {  	[smem:$0x3FB9] =	sst s10  }
0x32: {  	s10 =	sld [smem:$0x3FB7];
	_ =	sdelay $0x3  }
0x33: {  	p0 =	seq.s32 s10, $0x1;
	s10 =	sld [smem:$0x3FB9];
	_ =	sdelay $0x3  }
0x34: {  	[smem:$0x3FB9] =	sst s10  }
0x35: {  	s10 =	sld [smem:$0x3FB8];
	_ =	sdelay $0x3  }
0x36: {  	p1 =	seq.s32 s10, $0x1;
	s10 =	sld [smem:$0x3FB9];
	_ =	sdelay $0x3  }
0x37: {  	[smem:$0x3FB9] =	sst s10  }
0x38: {  	s10 =	sld [smem:$0x3FBA]  }
0x39: {  	_ = 	snop;
	(pc) =	sbr.ind lr, $3  }
0x3a: {  	_ = 	snop  }
0x3b: {  	_ = 	snop  }
0x3c: {  	p2 =	seq.s32 s10, $0x1;
	s10 =	sld [smem:$0x3FB9]  }
0x3d: {  	_ =	shalt  }
0x3e: {  	_ =	shalt  }
0x3f: {  	_ =	shalt  }
0x40: {  	_ =	shalt  }
0x41: {  	_ =	shalt  }
0x42: {  	_ =	shalt  }
0x43: {  	_ =	shalt  }
0x44: {  	_ =	shalt  }
0x45: {  	_ =	shalt  }
0x46: {  	_ =	shalt  }
0x47: {  	_ =	shalt  }
0x48: {  	_ =	shalt  }
0x49: {  	_ =	shalt  }
0x4a: {  	_ =	shalt  }
0x4b: {  	_ =	shalt  }
0x4c: {  	_ =	shalt  }
0x4d: {  	_ =	shalt  }
0x4e: {  	_ =	shalt  }
0x4f: {  	_ =	shalt  }
0x50: {  	_ =	shalt  }
0x51: {  	_ =	shalt  }
0x52: {  	_ =	shalt  }
0x53: {  	_ =	shalt  }
0x54: {  	_ =	shalt  }
0x55: {  	_ =	shalt  }
0x56: {  	_ =	shalt  }
0x57: {  	_ =	shalt  }
0x58: {  	_ =	shalt  }
0x59: {  	_ =	shalt  }
0x5a: {  	_ =	shalt  }
0x5b: {  	_ =	shalt  }
0x5c: {  	_ =	shalt  }
0x5d: {  	_ =	shalt  }
0x5e: {  	_ =	shalt  }
0x5f: {  	_ =	shalt  }
0x60: {  	_ =	shalt  }
0x61: {  	_ =	shalt  }
0x62: {  	_ =	shalt  }
0x63: {  	_ =	shalt  }
0x64: {  	_ =	shalt  }
0x65: {  	_ =	shalt  }
0x66: {  	_ =	shalt  }
0x67: {  	_ =	shalt  }
0x68: {  	_ =	shalt  }
0x69: {  	_ =	shalt  }
0x6a: {  	_ =	shalt  }
0x6b: {  	_ =	shalt  }
0x6c: {  	_ =	shalt  }
0x6d: {  	_ =	shalt  }
0x6e: {  	_ =	shalt  }
0x6f: {  	_ =	shalt  }
0x70: {  	_ =	shalt  }
0x71: {  	_ =	shalt  }
0x72: {  	_ =	shalt  }
0x73: {  	_ =	shalt  }
0x74: {  	_ =	shalt  }
0x75: {  	_ =	shalt  }
0x76: {  	_ =	shalt  }
0x77: {  	_ =	shalt  }
0x78: {  	_ =	shalt  }
0x79: {  	_ =	shalt  }
0x7a: {  	_ =	shalt  }
0x7b: {  	_ =	shalt  }
0x7c: {  	_ =	shalt  }
0x7d: {  	_ =	shalt  }
0x7e: {  	_ =	shalt  }
0x7f: {  	_ =	shalt  }
0x80: {  	_ =	shalt  }
0x81: {  	_ =	shalt  }
0x82: {  	_ =	shalt  }
0x83: {  	_ =	shalt  }
0x84: {  	_ =	shalt  }
0x85: {  	_ =	shalt  }
0x86: {  	_ =	shalt  }
0x87: {  	_ =	shalt  }
.Lfunc_end0:
.L_simem_size_0:
called_computation_lowered:
.L_overlay_start_0:
0x88: {  	s2 =	sld [smem:$0x3FD9]  }
0x89: {  	s3 =	sld [smem:$0x3FFE];
	_ =	sdelay $0x1  }
0x8a: {  	s1 =	srdreg.scid  }
0x8b: {  	s0 =	sand.u32 $0x1, s1  }
0x8c: {  	s17 =	sshll.u32 s0, $0xA;
	s2 =	sadd.s32 s3, s2  }
0x8d: {  	s2 =	sadd.s32 s2, s17  }
0x8e: {  	[smem:$0x3FC5] =	sst s2  }
0x8f: {  	_ = 	snop  }
0x90: {  	s2 =	sld [smem:$0x3FD0];
	(tm) =	ssettm $0x1  }
0x91: {  	s18 =	sld [smem:$0x3FFB];
	_ =	sdelay $0x3  }
0x92: {  	_ =	strace s18  }
0x93: {  	s3 =	sld [smem:$0x3FFC];
	_ =	sdelay $0x3  }
0x94: {  	_ =	strace s3  }
0x95: {  	s3 =	sld [smem:$0x3FFD];
	_ =	sdelay $0x3  }
0x96: {  	_ =	strace s3  }
0x97: {  	_ =	strace $0x8FFFFFFF  }
0x98: {  	s19 =	sld [smem:$0x3FDB];
	_ =	sdelay $0x1  }
0x99: {  	s4 =	simm.s32 $_scs_section_size  }
0x9a: {  	s5 =	simm.s32 $_size__tile_overlayer_lowered;
	s6 =	simm.s32 $_tile_overlayer_lowered  }
0x9b: {  	s22 =	simm.s32 $0x1BFF;
	s21 =	sshll.u32 s6, $0x1;
	s3 =	sadd.s32 s4, s19  }
0x9c: {  	s7 =	simm.s32 $0x0;
	s20 =	sshll.u32 s5, $0x1;
	s5 =	sadd.s32 s21, s3  }
0x9d: {  	[timem:s7], [sflag:s22] =	dma.local [hbm:s5], s20  }
0x9e: {  	_ =	swait.ge [sflag:s22], s20  }
0x9f: {  	s4 =	ssub.s32 $0x0, s20;
	[sflag:s22] =	ssyncset.done $0x0  }
0xa0: {  	[sflag:s22] =	ssyncadd.s32 s4;
	_ =	sdelay $0x1  }
0xa1: {  	s23 =	simm.s32 $0x1B8B  }
0xa2: {  	_ =	swait.ge [sflag:s23], $0x1  }
0xa3: {  	[sflag:s23] =	ssyncset.done $0x0  }
0xa4: {  	s25 =	simm.s32 $0x1B8E;
	s24 =	sld [smem:$0x3FFE];
	[sflag:s23] =	ssyncadd.s32 $0xFFFFFFFF  }
0xa5: {  	s26 =	simm.s32 $execute0_lowered;
	[smem:$0x3FD2] =	sst s25  }
0xa6: {  	s5 =	sshll.u32 s26, $0x1;
	_ =	strace $0x80000046;
	[dreg:$0x1] =	wrdreg $0xFFFFFFFF  }
0xa7: {  	s28 =	simm.s32 $_size_execute0_lowered;
	s3 =	sadd.s32 s3, s5;
	[dreg:$0x0] =	wrdreg $0x0  }
0xa8: {  	s5 =	sshll.u32 s28, $0x1;
	[dreg:$0x2] =	wrdreg s3  }
0xa9: {  	[dreg:$0x3] =	wrdreg s5  }
0xaa: {  	[dreg:$0x4] =	wrdreg $0xC0  }
0xab: {  	_ =	task [dreg:s7], $0x5FFFF  }
0xac: {  	[dreg:$0x1] =	wrdreg $0xFFFFFFFF  }
0xad: {  	[dreg:$0x0] =	wrdreg $0x60  }
0xae: {  	[dreg:$0x2] =	wrdreg s24  }
0xaf: {  	[dreg:$0x3] =	wrdreg s2  }
0xb0: {  	[dreg:$0x4] =	wrdreg $0x82000  }
0xb1: {  	[dreg:$0x5] =	wrdreg $0x9  }
0xb2: {  	_ =	task.clear_ibuf [dreg:s7], $0x6FFFF;
	_ =	strace $0x90000046  }
0xb3: {  	s29 =	simm.s32 $0x9;
	_ =	strace $0x80000048  }
0xb4: {  	_ =	swait.ge [sflag:s29], $0x1  }
0xb5: {  	[sflag:s29] =	ssyncadd.s32 $0xFFFFFFFF  }
0xb6: {  	_ =	strace $0x90000048  }
0xb7: {  	_ =	sfence  }
0xb8: {  	s30 =	sld [smem:$0x0];
	_ =	sdelay $0x2  }
0xb9: {  	s31 =	sshll.u32 s1, $0xD;
	s1 =	sshrl.u32 s1, $0x2  }
0xba: {  	s3 =	sand.u32 $0x4000, s31;
	s1 =	sadd.s32 s1, s30  }
0xbb: {  	s0 =	sor.u32 s3, s0;
	s1 =	sshll.u32 s1, $0x11  }
0xbc: {  	s0 =	sor.u32 s1, s0  }
0xbd: {  	s0 =	sadd.s32 $0x8F2B, s0  }
0xbe: {  	[sflag:s0] =	ssyncadd.remote.s32 $0x1  }
0xbf: {  	_ =	sfence.sel $0xFFFF  }
0xc0: {  	[dreg:$0x0] =	wrdreg $0xFFFFFFFF;
	(pc) =	sbr.abs _section_cstart, $3  }
0xc1: {  	[dreg:$0x1] =	wrdreg $0xFFFFFFFF  }
0xc2: {  	_ =	task.clear_ibuf [dreg:s7], $0x2FFFF;
	_ =	strace $0x9FFFFFFF  }
0xc3: {  	(tm) =	ssettm $0x7FFFFFFF  }
tec
execute0_lowered:
.L_overlay_start_1:
0x0: {  	(tag) =	ssettag $0x1  }
0x1: {  	s4 =	rddreg [dreg:$0x0]  }
0x2: {  	s13 =	rddreg [dreg:$0x1]  }
0x3: {  	s1 =	rddreg [dreg:$0x2]  }
0x4: {  	s0 =	rddreg [dreg:$0x3]  }
0x5: {  	s2 =	simm.s32 $0x0;
	s3 =	srdreg.scid;
	s19 =	simm.s32 $0x200  }
0x6: {  	s20 =	simm.s32 $0x100;
	s21 =	simm.s32 $0x1;
	s22 =	simm.s32 $0x4200  }
0x7: {  	s23 =	simm.s32 $0x180;
	s24 =	simm.s32 $0x8;
	s25 =	simm.s32 $0x0  }
0x8: {  	[smem:$0x7FF] =	sst s2;
	s11 =	sand.u32 $0x1, s3;
	s3 =	stileid.u32  }
0x9: {  	s17 =	sadd.s32 $0x138000, s1;
	s5 =	smul.u32 $0x27100, s11;
	_ =	strace $0x80000047  }
0xa: {  	s6 =	sshll.u32 s3, $0x5;
	s7 =	smul.u32 $0x4E000, s3;
	s29 =	ssub.s32 $0x2, s11  }
0xb: {  	s31 =	sshll.u32 s3, $0x6;
	s10 =	smul.u32 $0x27000, s3;
	s16 =	sshll.u32 s11, $0xA  }
0xc: {  	s18 =	sshll.u32 s11, $0x7;
	p0 =	sne.s32 s3, $0xF;
	p1 =	sgt.u32 s3, $0x1  }
0xd: {  	s12 =	sadd.s32 s6, s4;
	s30 =	sshrl.u32 s29, $0x1;
	s17 =	sshrl.u32 @!p0 s17, $0x3  }
0xe: {  	s8 =	sadd.s32 s5, s4;
	s4 =	sadd.s32 $0x58C00, s4;
	s7 =	sshrl.u32 s7, $0x2  }
0xf: {  	s14 =	ssub.s32 s29, s30;
	s5 =	sor.u32 $0x1C02, s31;
	s6 =	sadd.s32 $0xC00, s12  }
0x10: {  	s9 =	sadd.s32 $0x1000, s12;
	s16 =	sor.u32 s16, s10;
	s10 =	sadd.s32 $0xA600, s12  }
0x11: {  	s11 =	sadd.s32 $0xA800, s12;
	s15 =	sadd.s32 s7, s1;
	s7 =	sadd.s32 $0xAA00, s8  }
0x12: {  	s8 =	sadd.s32 $0xE00, s12;
	s16 =	sshrl.u32 s16, $0x3;
	s14 =	smax.u32 s14, $0x1  }
0x13: {  	s12 =	sadd.s32 s13, s16;
	s13 =	sadd.s32 s18, s13;
	s15 =	sshrl.u32 s15, $0x3  }
0x14: {  	s16 =	simm.s32 $0x2;
	s18 =	simm.s32 $0x80;
	s13 =	sadd.s32 $0x4E000, s13  }
.LBB2_1:
0x15: {  	[spmem:s15], [sflag:s5] =	dma.local [hbm:s4], $0x2700  }
0x16: {  	_ =	swait.ge [sflag:s16], $0x2700  }
0x17: {  	[sflag:s16] =	ssyncset.done $0x0  }
0x18: {  	s26 =	simm.s32 @!p0 $0x2;
	[sflag:s16] =	ssyncadd.s32 $0xFFFFD900  }
0x19: {  	[spmem:s17], [sflag:s5] =	dma.local @!p0 [hbm:s4], $0x100  }
0x1a: {  	_ =	swait.ge @!p0 [sflag:s26], $0x100  }
0x1b: {  	[sflag:s26] =	ssyncset.done @!p0 $0x0  }
0x1c: {  	[sflag:s26] =	ssyncadd.s32 @!p0 $0xFFFFFF00  }
0x1d: {  	[bflag:$0x0] =	sbarrier.arrive $0xFFFF  }
0x1e: {  	[tilespmem:s2], [sflag:$0x2] =	stream.linear.gather [hbm4b:s6+s2], $0x100, $0x38;
	[tilespmem:$0x1BA80] =	vst v63  }
0x1f: {  	_ =	swait.ge [sflag:s16], $0x100  }
0x20: {  	[sflag:s16] =	ssyncset.done $0x0  }
0x21: {  	[sflag:s16] =	ssyncadd.s32 $0xFFFFFF00  }
0x22: {  	[tilespmem:s19], [sflag:$0x1] =	stream.indirect.gather [hbm4b:s7+s18], $0x80, s2, s18, $0xb8;
	[tilespmem:$0x1BA80] =	vst v63  }
0x23: {  	_ = 	snop  }
0x24: {  	[tilespmem:s20], [sflag:$0x2] =	stream.linear.gather [hbm4b:s8+s2], $0x100, $0x38;
	[tilespmem:$0x1BA80] =	vst v63  }
0x25: {  	_ =	swait.ge [sflag:s16], $0x100  }
0x26: {  	[sflag:s16] =	ssyncset.done $0x0  }
0x27: {  	[sflag:s16] =	ssyncadd.s32 $0xFFFFFF00  }
0x28: {  	_ =	swait.ge [sflag:s21], $0x4000  }
0x29: {  	[sflag:s21] =	ssyncset.done $0x0  }
0x2a: {  	[sflag:s21] =	ssyncadd.s32 $0xFFFFC000  }
0x2b: {  	[tilespmem:s22], [sflag:$0x1] =	stream.indirect.gather [hbm4b:s7+s18], $0x80, s20, s18, $0xb8;
	[tilespmem:$0x1BA80] =	vst v63  }
0x2c: {  	_ = 	snop  }
0x2d: {  	[spmem:s1] =	stream.indirect.scatter.add.f32 [tilespmem:s19], [sflag:$0x2], $0x80, s18, s18, $0xb8;
	[tilespmem:$0x1BA80] =	vst v63  }
0x2e: {  	_ =	swait.ge [sflag:s16], $0x4000  }
0x2f: {  	[sflag:s16] =	ssyncset.done $0x0  }
0x30: {  	[sflag:s16] =	ssyncadd.s32 $0xFFFFC000  }
0x31: {  	[tilespmem:s2], [sflag:$0x2] =	stream.linear.gather [hbm4b:s9+s2], $0x100, $0x38;
	[tilespmem:$0x1BA80] =	vst v63  }
0x32: {  	_ =	swait.ge [sflag:s16], $0x100  }
0x33: {  	[sflag:s16] =	ssyncset.done $0x0  }
0x34: {  	[sflag:s16] =	ssyncadd.s32 $0xFFFFFF00  }
0x35: {  	_ =	swait.ge [sflag:s21], $0x4000  }
0x36: {  	[sflag:s21] =	ssyncset.done $0x0  }
0x37: {  	[sflag:s21] =	ssyncadd.s32 $0xFFFFC000  }
0x38: {  	[tilespmem:s19], [sflag:$0x1] =	stream.indirect.gather [hbm4b:s7+s18], $0x80, s2, s18, $0xb8;
	[tilespmem:$0x1BA80] =	vst v63  }
0x39: {  	_ = 	snop  }
0x3a: {  	[spmem:s1] =	stream.indirect.scatter.add.f32 [tilespmem:s22], [sflag:$0x2], $0x80, s23, s18, $0xb8;
	[tilespmem:$0x1BA80] =	vst v63  }
0x3b: {  	_ =	swait.ge [sflag:s16], $0x4000  }
0x3c: {  	s31 =	sadd.s32 $0xFFFF6C00, s6;
	[sflag:s16] =	ssyncset.done $0x0  }
0x3d: {  	s28 =	sadd.s32 $0x9A00, s31;
	[sflag:s16] =	ssyncadd.s32 $0xFFFFC000  }
0x3e: {  	[tilespmem:s20], [sflag:$0x2] =	stream.linear.gather [hbm4b:s28+s2], $0x100, $0x38;
	[tilespmem:$0x1BA80] =	vst v63  }
0x3f: {  	_ =	swait.ge [sflag:s16], $0x100  }
0x40: {  	[sflag:s16] =	ssyncset.done $0x0  }
0x41: {  	[sflag:s16] =	ssyncadd.s32 $0xFFFFFF00  }
0x42: {  	_ =	swait.ge [sflag:s21], $0x4000  }
0x43: {  	[sflag:s21] =	ssyncset.done $0x0  }
0x44: {  	[sflag:s21] =	ssyncadd.s32 $0xFFFFC000  }
0x45: {  	[tilespmem:s22], [sflag:$0x1] =	stream.indirect.gather [hbm4b:s7+s18], $0x80, s20, s18, $0xb8;
	[tilespmem:$0x1BA80] =	vst v63  }
0x46: {  	_ = 	snop  }
0x47: {  	[spmem:s1] =	stream.indirect.scatter.add.f32 [tilespmem:s19], [sflag:$0x2], $0x80, s18, s18, $0xb8;
	[tilespmem:$0x1BA80] =	vst v63  }
0x48: {  	_ =	swait.ge [sflag:s16], $0x4000  }
0x49: {  	[sflag:s16] =	ssyncset.done $0x0  }
0x4a: {  	s26 =	sadd.s32 $0x9C00, s31;
	[sflag:s16] =	ssyncadd.s32 $0xFFFFC000  }
0x4b: {  	[tilespmem:s2], [sflag:$0x2] =	stream.linear.gather [hbm4b:s26+s2], $0x100, $0x38;
	[tilespmem:$0x1BA80] =	vst v63  }
0x4c: {  	_ =	swait.ge [sflag:s16], $0x100  }
0x4d: {  	[sflag:s16] =	ssyncset.done $0x0  }
0x4e: {  	[sflag:s16] =	ssyncadd.s32 $0xFFFFFF00  }
0x4f: {  	_ =	swait.ge [sflag:s21], $0x4000  }
0x50: {  	s26 =	simm.s32 $0xFFFF7000;
	[sflag:s21] =	ssyncset.done $0x0  }
.LBB2_2:
0x51: {  	p2 =	sne.s32 s26, $0xFFFFFC00  }
0x52: {  	[sflag:s21] =	ssyncadd.s32 $0xFFFFC000;
	s28 =	smov.u32 s26;
	s26 =	sadd.s32 $0x400, s26  }
0x53: {  	[tilespmem:s19], [sflag:$0x1] =	stream.indirect.gather [hbm4b:s7+s18], $0x80, s2, s18, $0xb8;
	[tilespmem:$0x1BA80] =	vst v63  }
0x54: {  	_ = 	snop  }
0x55: {  	[spmem:s1] =	stream.indirect.scatter.add.f32 [tilespmem:s22], [sflag:$0x2], $0x80, s23, s18, $0xb8;
	[tilespmem:$0x1BA80] =	vst v63  }
0x56: {  	_ =	swait.ge [sflag:s16], $0x4000  }
0x57: {  	s28 =	sadd.s32 s28, s6;
	[sflag:s16] =	ssyncset.done $0x0  }
0x58: {  	s29 =	sadd.s32 $0x9A00, s28;
	[sflag:s16] =	ssyncadd.s32 $0xFFFFC000  }
0x59: {  	[tilespmem:s20], [sflag:$0x2] =	stream.linear.gather [hbm4b:s29+s2], $0x100, $0x38;
	[tilespmem:$0x1BA80] =	vst v63  }
0x5a: {  	_ =	swait.ge [sflag:s16], $0x100  }
0x5b: {  	[sflag:s16] =	ssyncset.done $0x0  }
0x5c: {  	[sflag:s16] =	ssyncadd.s32 $0xFFFFFF00  }
0x5d: {  	_ =	swait.ge [sflag:s21], $0x4000  }
0x5e: {  	[sflag:s21] =	ssyncset.done $0x0  }
0x5f: {  	[sflag:s21] =	ssyncadd.s32 $0xFFFFC000  }
0x60: {  	[tilespmem:s22], [sflag:$0x1] =	stream.indirect.gather [hbm4b:s7+s18], $0x80, s20, s18, $0xb8;
	[tilespmem:$0x1BA80] =	vst v63  }
0x61: {  	_ = 	snop  }
0x62: {  	[spmem:s1] =	stream.indirect.scatter.add.f32 [tilespmem:s19], [sflag:$0x2], $0x80, s18, s18, $0xb8;
	[tilespmem:$0x1BA80] =	vst v63  }
0x63: {  	_ =	swait.ge [sflag:s16], $0x4000  }
0x64: {  	[sflag:s16] =	ssyncset.done $0x0  }
0x65: {  	s28 =	sadd.s32 $0x9C00, s28;
	[sflag:s16] =	ssyncadd.s32 $0xFFFFC000  }
0x66: {  	[tilespmem:s2], [sflag:$0x2] =	stream.linear.gather [hbm4b:s28+s2], $0x100, $0x38;
	[tilespmem:$0x1BA80] =	vst v63  }
.Ltmp0:
0x67: {  	_ =	swait.ge [sflag:s16], $0x100;
	(pc) =	sbr.rel @p2 .LBB2_2-.Ltmp0, $4  }
0x68: {  	[sflag:s16] =	ssyncset.done $0x0  }
0x69: {  	[sflag:s16] =	ssyncadd.s32 $0xFFFFFF00  }
0x6a: {  	_ =	swait.ge [sflag:s21], $0x4000  }
0x6b: {  	[sflag:s21] =	ssyncset.done $0x0  }
0x6c: {  	[sflag:s21] =	ssyncadd.s32 $0xFFFFC000  }
0x6d: {  	[tilespmem:s19], [sflag:$0x1] =	stream.indirect.gather [hbm4b:s7+s18], $0x80, s2, s18, $0xb8;
	[tilespmem:$0x1BA80] =	vst v63  }
0x6e: {  	_ = 	snop  }
0x6f: {  	[spmem:s1] =	stream.indirect.scatter.add.f32 [tilespmem:s22], [sflag:$0x2], $0x80, s23, s18, $0xb8;
	[tilespmem:$0x1BA80] =	vst v63  }
0x70: {  	_ =	swait.ge [sflag:s16], $0x4000  }
0x71: {  	[sflag:s16] =	ssyncset.done $0x0  }
0x72: {  	[sflag:s16] =	ssyncadd.s32 $0xFFFFC000  }
0x73: {  	[tilespmem:s20], [sflag:$0x2] =	stream.linear.gather [hbm4b:s10+s2], $0x100, $0x38;
	[tilespmem:$0x1BA80] =	vst v63  }
0x74: {  	_ =	swait.ge [sflag:s16], $0x100  }
0x75: {  	[sflag:s16] =	ssyncset.done $0x0  }
0x76: {  	[sflag:s16] =	ssyncadd.s32 $0xFFFFFF00  }
0x77: {  	_ =	swait.ge [sflag:s21], $0x4000  }
0x78: {  	[sflag:s21] =	ssyncset.done $0x0  }
0x79: {  	[sflag:s21] =	ssyncadd.s32 $0xFFFFC000  }
0x7a: {  	[tilespmem:s22], [sflag:$0x1] =	stream.indirect.gather [hbm4b:s7+s18], $0x80, s20, s18, $0xb8;
	[tilespmem:$0x1BA80] =	vst v63  }
0x7b: {  	_ = 	snop  }
0x7c: {  	[spmem:s1] =	stream.indirect.scatter.add.f32 [tilespmem:s19], [sflag:$0x2], $0x80, s18, s18, $0xb8;
	[tilespmem:$0x1BA80] =	vst v63  }
0x7d: {  	_ =	swait.ge [sflag:s16], $0x4000  }
0x7e: {  	[sflag:s16] =	ssyncset.done $0x0  }
0x7f: {  	[sflag:s16] =	ssyncadd.s32 $0xFFFFC000  }
0x80: {  	_ =	swait.ge [sflag:s21], $0x4000  }
0x81: {  	[sflag:s21] =	ssyncset.done $0x0  }
0x82: {  	[sflag:s21] =	ssyncadd.s32 $0xFFFFC000  }
0x83: {  	[spmem:s1] =	stream.indirect.scatter.add.f32 [tilespmem:s22], [sflag:$0x2], $0x80, s23, s18, $0xb8;
	[tilespmem:$0x1BA80] =	vst v63  }
0x84: {  	_ =	swait.ge [sflag:s16], $0x4000  }
0x85: {  	[sflag:s16] =	ssyncset.done $0x0  }
0x86: {  	s26 =	simm.s32 @!p1 $0x0;
	s28 =	simm.s32 @!p1 $0x2;
	[sflag:s16] =	ssyncadd.s32 $0xFFFFC000  }
0x87: {  	[tilespmem:s26], [sflag:$0x2] =	stream.linear.gather @!p1 [hbm4b:s11+s26], $0x100, $0x38;
	[tilespmem:$0x1BA80] =	vst v63  }
0x88: {  	_ =	swait.ge @!p1 [sflag:s28], $0x100  }
0x89: {  	[sflag:s28] =	ssyncset.done @!p1 $0x0  }
0x8a: {  	s29 =	simm.s32 @!p1 $0x80;
	s30 =	simm.s32 @!p1 $0x200;
	[sflag:s28] =	ssyncadd.s32 @!p1 $0xFFFFFF00  }
0x8b: {  	[tilespmem:s30], [sflag:$0x1] =	stream.indirect.gather @!p1 [hbm4b:s7+s29], $0x80, s26, s29, $0xb8;
	[tilespmem:$0x1BA80] =	vst v63  }
0x8c: {  	s26 =	simm.s32 @!p1 $0x1  }
0x8d: {  	_ =	swait.ge @!p1 [sflag:s26], $0x4000  }
0x8e: {  	[sflag:s26] =	ssyncset.done @!p1 $0x0  }
0x8f: {  	[sflag:s26] =	ssyncadd.s32 @!p1 $0xFFFFC000  }
0x90: {  	[spmem:s1] =	stream.indirect.scatter.add.f32 @!p1 [tilespmem:s30], [sflag:$0x2], $0x80, s29, s29, $0xb8;
	[tilespmem:$0x1BA80] =	vst v63  }
0x91: {  	_ =	swait.ge @!p1 [sflag:s28], $0x4000  }
0x92: {  	[sflag:s28] =	ssyncset.done @!p1 $0x0  }
0x93: {  	[sflag:s28] =	ssyncadd.s32 @!p1 $0xFFFFC000  }
0x94: {  	[bflag:$0x0] =	sbarrier.arrive $0xFFFF  }
0x95: {  	[hbm:s12@s20], [sflag:s5] =	dma.strided [spmem:s15@s18], $0x2700, s24, $0x10   }
0x96: {  	s25 =	sadd.s32 $0x1, s25;
	_ =	swait.ge [sflag:s16], $0x2700  }
0x97: {  	p2 =	sne.s32 s25, s14;
	s26 =	simm.s32 @!p0 $0x8;
	[sflag:s16] =	ssyncset.done $0x0  }
0x98: {  	s29 =	simm.s32 @!p0 $0x80;
	s28 =	simm.s32 @!p0 $0x100;
	[sflag:s16] =	ssyncadd.s32 $0xFFFFD900  }
0x99: {  	[hbm:s13@s28], [sflag:s5] =	dma.strided @!p0 [spmem:s17@s29], $0x100, s26, $0x10   }
.Ltmp1:
0x9a: {  	_ = 	snop;
	(pc) =	sbr.rel @p2 .LBB2_1-.Ltmp1, $4  }
0x9b: {  	s26 =	simm.s32 @!p0 $0x2  }
0x9c: {  	_ =	swait.ge @!p0 [sflag:s26], $0x100  }
0x9d: {  	[sflag:s26] =	ssyncset.done @!p0 $0x0  }
0x9e: {  	[sflag:s26] =	ssyncadd.s32 @!p0 $0xFFFFFF00  }
0x9f: {  	_ =	sfence.sel $0x180000  }
0xa0: {  	[bflag:$0x0] =	sbarrier.arrive $0xFFFF  }
0xa1: {  	p0 =	sne.s32 s3, $0x0;
	_ =	strace $0x90000047  }
0xa2: {  	s0 =	sadd.s32 @!p0 $0x100000, s0;
	[bflag:$0x2] =	sbarrier.arrive $0xFFFF  }
0xa3: {  	[sflag:s0] =	ssyncadd.tile.s32 @!p0 $0x1;
	_ =	shalt  }
.Lfunc_end2:
_tile_overlayer_lowered:
.L_overlay_start_2:
0xa4: {  	(tag) =	ssettag $0x2  }
0xa5: {  	s0 =	rddreg [dreg:$0x0];
	s2 =	stileid.u32  }
0xa6: {  	s1 =	rddreg [dreg:$0x1];
	p0 =	sne.s32 s2, $0x0  }
0xa7: {  	s3 =	rddreg [dreg:$0x2];
	[bflag:$0x3] =	sbarrier.arrive $0xFFFF;
	s2 =	simm.s32 @!p0 $0x1C02  }
0xa8: {  	[timem:s3], [sflag:s2] =	dma.local @!p0 [hbm:s0], s1  }
0xa9: {  	s0 =	simm.s32 @!p0 $0x2  }
0xaa: {  	_ =	swait.ge @!p0 [sflag:s0], s1  }
0xab: {  	s1 =	ssub.s32 @!p0 $0x0, s1;
	[sflag:s0] =	ssyncset.done @!p0 $0x0  }
0xac: {  	[sflag:s0] =	ssyncadd.s32 @!p0 s1  }
0xad: {  	[bflag:$0x3] =	sbarrier.arrive $0xFFFF  }
0xae: {  	_ =	shalt  }

</sc_bundles>
